<compile_context>
chip_gen: v7x
topology: tpu7x:2x2x1
jax: 0.10.2.dev20260603
libtpu: 0.0.44.dev20260713+nightly
codegen_flags: <defaults>
</compile_context>

<pallas_src>
import jax
import jax.numpy as jnp
from jax.experimental import pallas as pl
from jax.experimental.pallas import tpu as pltpu

_THR = 5.0
_SRC_SUB = 128
_DST_BLK = 256
_POS_PAD = 128


def _prep_kernel(sf_ref, sp_ref, df_ref, dp_ref,
                 W_src_ref, b_src_ref, W_dst_ref, b_dst_ref,
                 W_ed_ref, b_ed_ref, W_e1a_ref, b_e1_ref, W_e1c_ref,
                 A_ref, u_ref, C_ref, v_ref, dst_enc_ref):
    src_enc = jnp.maximum(sf_ref[...] @ W_src_ref[...] + b_src_ref[...], 0.0)
    A_ref[...] = src_enc @ W_e1a_ref[...] + b_e1_ref[...]
    sp = sp_ref[...]
    W_ed = W_ed_ref[...]
    u_ref[...] = (sp[:, 0:1] * W_ed[0:1, :] + sp[:, 1:2] * W_ed[1:2, :]
                  + b_ed_ref[...])
    dst_enc = jnp.maximum(df_ref[...] @ W_dst_ref[...] + b_dst_ref[...], 0.0)
    dst_enc_ref[...] = dst_enc
    C_ref[...] = dst_enc @ W_e1c_ref[...]
    dp = dp_ref[...]
    v_ref[...] = dp[:, 0:1] * W_ed[0:1, :] + dp[:, 1:2] * W_ed[1:2, :]


def _main_kernel(A_ref, u_ref, spad_ref, C_ref, v_ref, dpT_ref,
                 dst_enc_ref, dst_feat_ref,
                 W_e1b_ref, W_e2_ref, b_e2_ref,
                 ln_g_ref, ln_b_ref, W_out_ref, b_out_ref,
                 out_ref, S_acc, cnt_acc):
    s = pl.program_id(1)
    ns = pl.num_programs(1)
    d = A_ref.shape[1]

    @pl.when(s == 0)
    def _zero():
        S_acc[...] = jnp.zeros_like(S_acc)
        cnt_acc[...] = jnp.zeros_like(cnt_acc)

    sx = spad_ref[:, 0:1]
    sy = spad_ref[:, 1:2]
    dx = dpT_ref[0:1, :]
    dy = dpT_ref[1:2, :]

    overlap = jnp.logical_and(jnp.min(sx) <= jnp.max(dx) + _THR,
                              jnp.max(sx) >= jnp.min(dx) - _THR)

    @pl.when(overlap)
    def _tile():
        diffx = sx - dx
        diffy = sy - dy
        dist = jnp.sqrt(diffx * diffx + diffy * diffy)
        mask = (dist <= _THR).astype(jnp.float32)

        u = u_ref[...]
        v = v_ref[...]
        ed = jnp.maximum(u[:, None, :] - v[None, :, :], 0.0)
        M = jax.lax.dot_general(
            ed.reshape(_SRC_SUB * _DST_BLK, d), W_e1b_ref[...],
            (((1,), (0,)), ((), ())), preferred_element_type=jnp.float32)
        hidden = jnp.maximum(
            M.reshape(_SRC_SUB, _DST_BLK, d)
            + A_ref[...][:, None, :] + C_ref[...][None, :, :], 0.0)
        S_acc[...] += jnp.sum(mask[:, :, None] * hidden, axis=0)
        ones = jnp.ones((_SRC_SUB, 128), jnp.float32)
        cnt_acc[...] += jax.lax.dot_general(
            mask, ones, (((0,), (0,)), ((), ())),
            preferred_element_type=jnp.float32)

    @pl.when(s == ns - 1)
    def _finalize():
        cnt_col = cnt_acc[:, 0:1]
        acc = (dst_enc_ref[...] + S_acc[...] @ W_e2_ref[...]
               + cnt_col * b_e2_ref[...])
        mean = jnp.mean(acc, axis=1, keepdims=True)
        cen = acc - mean
        var = jnp.mean(cen * cen, axis=1, keepdims=True)
        nrm = cen / jnp.sqrt(var + 1e-5) * ln_g_ref[...] + ln_b_ref[...]
        h = jnp.maximum(nrm, 0.0)
        o = h @ W_out_ref[...] + b_out_ref[...] + dst_feat_ref[...]
        out_ref[...] = jnp.maximum(o, 0.0)


@jax.jit
def kernel(src_node_features, src_node_pos, dst_node_features, dst_node_pos,
           W_src, b_src, W_dst, b_dst, W_ed, b_ed,
           W_e1, b_e1, W_e2, b_e2, ln_gamma, ln_beta, W_out, b_out):
    src_n, d = src_node_features.shape
    dst_n = dst_node_features.shape[0]
    f32 = jnp.float32

    W_e1a = W_e1[0:d]
    W_e1b = W_e1[d:2 * d]
    W_e1c = W_e1[2 * d:]
    b_src_r = b_src.reshape(1, d)
    b_dst_r = b_dst.reshape(1, d)
    b_e1_r = b_e1.reshape(1, d)
    b_ed_r = b_ed.reshape(1, d)
    b_e2_r = b_e2.reshape(1, d)
    ln_g_r = ln_gamma.reshape(1, d)
    ln_b_r = ln_beta.reshape(1, d)
    b_out_r = b_out.reshape(1, d)

    sperm = jnp.argsort(src_node_pos[:, 0])
    dperm = jnp.argsort(dst_node_pos[:, 0])
    sf_s = jnp.take(src_node_features, sperm, axis=0)
    sp_s = jnp.take(src_node_pos, sperm, axis=0)
    df_s = jnp.take(dst_node_features, dperm, axis=0)
    dp_s = jnp.take(dst_node_pos, dperm, axis=0)

    spad = jnp.pad(sp_s, ((0, 0), (0, _POS_PAD - 2)))
    dpT = jnp.pad(dp_s.T, ((0, 6), (0, 0)))

    A, u, C, v, dst_enc = pl.pallas_call(
        _prep_kernel,
        out_shape=[
            jax.ShapeDtypeStruct((src_n, d), f32),
            jax.ShapeDtypeStruct((src_n, d), f32),
            jax.ShapeDtypeStruct((dst_n, d), f32),
            jax.ShapeDtypeStruct((dst_n, d), f32),
            jax.ShapeDtypeStruct((dst_n, d), f32),
        ],
    )(sf_s, sp_s, df_s, dp_s,
      W_src, b_src_r, W_dst, b_dst_r, W_ed, b_ed_r, W_e1a, b_e1_r, W_e1c)

    db = dst_n // _DST_BLK
    sb = src_n // _SRC_SUB
    out = pl.pallas_call(
        _main_kernel,
        grid=(db, sb),
        in_specs=[
            pl.BlockSpec((_SRC_SUB, d), lambda i, j: (j, 0)),
            pl.BlockSpec((_SRC_SUB, d), lambda i, j: (j, 0)),
            pl.BlockSpec((_SRC_SUB, _POS_PAD), lambda i, j: (j, 0)),
            pl.BlockSpec((_DST_BLK, d), lambda i, j: (i, 0)),
            pl.BlockSpec((_DST_BLK, d), lambda i, j: (i, 0)),
            pl.BlockSpec((8, _DST_BLK), lambda i, j: (0, i)),
            pl.BlockSpec((_DST_BLK, d), lambda i, j: (i, 0)),
            pl.BlockSpec((_DST_BLK, d), lambda i, j: (i, 0)),
            pl.BlockSpec((d, d), lambda i, j: (0, 0)),
            pl.BlockSpec((d, d), lambda i, j: (0, 0)),
            pl.BlockSpec((1, d), lambda i, j: (0, 0)),
            pl.BlockSpec((1, d), lambda i, j: (0, 0)),
            pl.BlockSpec((1, d), lambda i, j: (0, 0)),
            pl.BlockSpec((d, d), lambda i, j: (0, 0)),
            pl.BlockSpec((1, d), lambda i, j: (0, 0)),
        ],
        out_specs=pl.BlockSpec((_DST_BLK, d), lambda i, j: (i, 0)),
        out_shape=jax.ShapeDtypeStruct((dst_n, d), f32),
        scratch_shapes=[
            pltpu.VMEM((_DST_BLK, d), f32),
            pltpu.VMEM((_DST_BLK, 128), f32),
        ],
        compiler_params=pltpu.CompilerParams(
            dimension_semantics=("parallel", "arbitrary")),
    )(A, u, spad, C, v, dpT, dst_enc, df_s,
      W_e1b, W_e2, b_e2_r, ln_g_r, ln_b_r, W_out, b_out_r)
    return jnp.take(out, jnp.argsort(dperm), axis=0)

# --- scband reference (transcript-rebuilt; emitter-appended) ---
"""Pipeline reference for scband-graph-attention-7653631721779 (READ-ONLY COPY).

The authoritative reference and input builder live on the scoring server;
editing this copy changes nothing except your own understanding.
"""

import jax, jax.numpy as jnp
import numpy as np

SRC_N = 4096
DST_N = 4096
D = 256
THR = 5.0
POS_SCALE = 100.0


def _lin_init(k, fan_in, shape):
    bound = 1.0 / np.sqrt(fan_in)
    return jax.random.uniform(k, shape, jnp.float32, -bound, bound)


def setup_inputs(seed: int = 0) -> dict:
    key = jax.random.key(seed)
    ks = jax.random.split(key, 20)
    inp = {}
    inp["src_node_features"] = jax.random.normal(ks[0], (SRC_N, D), dtype=jnp.float32)
    inp["src_node_pos"] = jax.random.uniform(ks[1], (SRC_N, 2), dtype=jnp.float32) * POS_SCALE
    inp["dst_node_features"] = jax.random.normal(ks[2], (DST_N, D), dtype=jnp.float32)
    inp["dst_node_pos"] = jax.random.uniform(ks[3], (DST_N, 2), dtype=jnp.float32) * POS_SCALE
    # src_encoder: Linear(D, D)
    inp["W_src"] = _lin_init(ks[4], D, (D, D))
    inp["b_src"] = _lin_init(ks[5], D, (D,))
    # dst_encoder: Linear(D, D)
    inp["W_dst"] = _lin_init(ks[6], D, (D, D))
    inp["b_dst"] = _lin_init(ks[7], D, (D,))
    # edge_dist_encoder: Linear(2, D)
    inp["W_ed"] = _lin_init(ks[8], 2, (2, D))
    inp["b_ed"] = _lin_init(ks[9], 2, (D,))
    # edge_encoder: Linear(3D, D), ReLU, Linear(D, D)
    inp["W_e1"] = _lin_init(ks[10], 3 * D, (3 * D, D))
    inp["b_e1"] = _lin_init(ks[11], 3 * D, (D,))
    inp["W_e2"] = _lin_init(ks[12], D, (D, D))
    inp["b_e2"] = _lin_init(ks[13], D, (D,))
    # LayerNorm(D)
    inp["ln_gamma"] = jnp.ones((D,), dtype=jnp.float32)
    inp["ln_beta"] = jnp.zeros((D,), dtype=jnp.float32)
    # output_linear: Linear(D, D)
    inp["W_out"] = _lin_init(ks[14], D, (D, D))
    inp["b_out"] = _lin_init(ks[15], D, (D,))
    return inp


def reference(src_node_features, src_node_pos, dst_node_features, dst_node_pos,
              W_src, b_src, W_dst, b_dst, W_ed, b_ed,
              W_e1, b_e1, W_e2, b_e2, ln_gamma, ln_beta, W_out, b_out):
    src_enc = jax.nn.relu(src_node_features @ W_src + b_src)
    dst_enc = jax.nn.relu(dst_node_features @ W_dst + b_dst)

    src_n = src_node_features.shape[0]
    dst_n = dst_node_features.shape[0]
    d = dst_enc.shape[-1]

    def body(i, acc):
        edge_pos_diff = src_node_pos[i][None, :] - dst_node_pos
        dist = jnp.sqrt(jnp.sum(edge_pos_diff * edge_pos_diff, axis=-1))
        mask = dist <= THR
        edge_dist = jax.nn.relu(edge_pos_diff @ W_ed + b_ed)
        edge_src_features = jnp.broadcast_to(src_enc[i][None, :], (dst_n, d))
        edge_input = jnp.concatenate([edge_src_features, edge_dist, dst_enc], axis=-1)
        edge_out = jax.nn.relu(edge_input @ W_e1 + b_e1) @ W_e2 + b_e2
        return acc + jnp.where(mask[:, None], edge_out, jnp.zeros_like(edge_out))

    out = jax.lax.fori_loop(0, src_n, body, dst_enc)
    mean = jnp.mean(out, axis=-1, keepdims=True)
    var = jnp.var(out, axis=-1, keepdims=True)
    out = (out - mean) / jnp.sqrt(var + 1e-5) * ln_gamma + ln_beta
    out = jax.nn.relu(out)
    out = out @ W_out + b_out
    out = out + dst_node_features
    return jax.nn.relu(out)

if __name__ == "__main__":
    import jax
    _d = setup_inputs()
    print(jax.jit(kernel)(*tuple(_d.values())))

</pallas_src>

<mosaic_0001>
module attributes {stable_mosaic.version = 14 : i64} {
  func.func @_prep_kernel(%arg0: memref<4096x256xf32, #tpu.memory_space<vmem>>, %arg1: memref<4096x2xf32, #tpu.memory_space<vmem>>, %arg2: memref<4096x256xf32, #tpu.memory_space<vmem>>, %arg3: memref<4096x2xf32, #tpu.memory_space<vmem>>, %arg4: memref<256x256xf32, #tpu.memory_space<vmem>>, %arg5: memref<1x256xf32, #tpu.memory_space<vmem>>, %arg6: memref<256x256xf32, #tpu.memory_space<vmem>>, %arg7: memref<1x256xf32, #tpu.memory_space<vmem>>, %arg8: memref<2x256xf32, #tpu.memory_space<vmem>>, %arg9: memref<1x256xf32, #tpu.memory_space<vmem>>, %arg10: memref<256x256xf32, #tpu.memory_space<vmem>>, %arg11: memref<1x256xf32, #tpu.memory_space<vmem>>, %arg12: memref<256x256xf32, #tpu.memory_space<vmem>>, %arg13: memref<4096x256xf32, #tpu.memory_space<vmem>>, %arg14: memref<4096x256xf32, #tpu.memory_space<vmem>>, %arg15: memref<4096x256xf32, #tpu.memory_space<vmem>>, %arg16: memref<4096x256xf32, #tpu.memory_space<vmem>>, %arg17: memref<4096x256xf32, #tpu.memory_space<vmem>>) attributes {dimension_semantics = [], scalar_prefetch = 0 : i64, scratch_operands = 0 : i64, tpu.core_type = #tpu.core_type<tc>} {
    %get3A = arith.constant 0 : index
    %get3A_0 = arith.constant 0 : index
    %get3A_1 = vector.load %arg0[%get3A, %get3A_0] : memref<4096x256xf32, #tpu.memory_space<vmem>>, vector<4096x256xf32>
    %get3A_2 = arith.constant 0 : index
    %get3A_3 = arith.constant 0 : index
    %get3A_4 = vector.load %arg4[%get3A_2, %get3A_3] : memref<256x256xf32, #tpu.memory_space<vmem>>, vector<256x256xf32>
    %dot_general3A = arith.constant dense<0.000000e+00> : vector<4096x256xf32>
    %dot_general3A_5 = tpu.matmul %get3A_1, %get3A_4, %dot_general3A {dimension_numbers = #tpu.dot_dimension_numbers<[1], [0], [0], [1], [0, 0, 1, 1], [], []>, transpose_lhs_hint = false} : vector<4096x256xf32>, vector<256x256xf32>, vector<4096x256xf32> -> vector<4096x256xf32>
    %get3A_6 = arith.constant 0 : index
    %get3A_7 = arith.constant 0 : index
    %get3A_8 = vector.load %arg5[%get3A_6, %get3A_7] : memref<1x256xf32, #tpu.memory_space<vmem>>, vector<1x256xf32>
    %add3A = vector.broadcast %get3A_8 : vector<1x256xf32> to vector<4096x256xf32>
    %add3A_9 = arith.addf %dot_general3A_5, %add3A : vector<4096x256xf32>
    %max3A = arith.constant 0.000000e+00 : f32
    %max3A_10 = vector.broadcast %max3A : f32 to vector<4096x256xf32>
    %max3A_11 = arith.maximumf %add3A_9, %max3A_10 : vector<4096x256xf32>
    %get3A_12 = arith.constant 0 : index
    %get3A_13 = arith.constant 0 : index
    %get3A_14 = vector.load %arg10[%get3A_12, %get3A_13] : memref<256x256xf32, #tpu.memory_space<vmem>>, vector<256x256xf32>
    %dot_general3A_15 = arith.constant dense<0.000000e+00> : vector<4096x256xf32>
    %dot_general3A_16 = tpu.matmul %max3A_11, %get3A_14, %dot_general3A_15 {dimension_numbers = #tpu.dot_dimension_numbers<[1], [0], [0], [1], [0, 0, 1, 1], [], []>, transpose_lhs_hint = false} : vector<4096x256xf32>, vector<256x256xf32>, vector<4096x256xf32> -> vector<4096x256xf32>
    %get3A_17 = arith.constant 0 : index
    %get3A_18 = arith.constant 0 : index
    %get3A_19 = vector.load %arg11[%get3A_17, %get3A_18] : memref<1x256xf32, #tpu.memory_space<vmem>>, vector<1x256xf32>
    %add3A_20 = vector.broadcast %get3A_19 : vector<1x256xf32> to vector<4096x256xf32>
    %add3A_21 = arith.addf %dot_general3A_16, %add3A_20 : vector<4096x256xf32>
    %swap3A = arith.constant 0 : index
    %swap3A_22 = arith.constant 0 : index
    %swap3A_23 = vector.load %arg13[%swap3A, %swap3A_22] : memref<4096x256xf32, #tpu.memory_space<vmem>>, vector<4096x256xf32>
    tpu.vector_store %arg13[%swap3A, %swap3A_22], %add3A_21 {strides = array<i32>} : memref<4096x256xf32, #tpu.memory_space<vmem>>, vector<4096x256xf32>,
    %get3A_24 = arith.constant 0 : index
    %get3A_25 = arith.constant 0 : index
    %get3A_26 = vector.load %arg1[%get3A_24, %get3A_25] : memref<4096x2xf32, #tpu.memory_space<vmem>>, vector<4096x2xf32>
    %get3A_27 = arith.constant 0 : index
    %get3A_28 = arith.constant 0 : index
    %get3A_29 = vector.load %arg8[%get3A_27, %get3A_28] : memref<2x256xf32, #tpu.memory_space<vmem>>, vector<2x256xf32>
    %slice3A = vector.extract_strided_slice %get3A_26 {offsets = [0, 0], sizes = [4096, 1], strides = [1, 1]} : vector<4096x2xf32> to vector<4096x1xf32>
    %slice3A_30 = vector.extract_strided_slice %get3A_29 {offsets = [0, 0], sizes = [1, 256], strides = [1, 1]} : vector<2x256xf32> to vector<1x256xf32>
    %mul3A = vector.broadcast %slice3A : vector<4096x1xf32> to vector<4096x256xf32>
    %mul3A_31 = vector.broadcast %slice3A_30 : vector<1x256xf32> to vector<4096x256xf32>
    %mul3A_32 = arith.mulf %mul3A, %mul3A_31 : vector<4096x256xf32>
    %slice3A_33 = vector.extract_strided_slice %get3A_26 {offsets = [0, 1], sizes = [4096, 1], strides = [1, 1]} : vector<4096x2xf32> to vector<4096x1xf32>
    %slice3A_34 = vector.extract_strided_slice %get3A_29 {offsets = [1, 0], sizes = [1, 256], strides = [1, 1]} : vector<2x256xf32> to vector<1x256xf32>
    %mul3A_35 = vector.broadcast %slice3A_33 : vector<4096x1xf32> to vector<4096x256xf32>
    %mul3A_36 = vector.broadcast %slice3A_34 : vector<1x256xf32> to vector<4096x256xf32>
    %mul3A_37 = arith.mulf %mul3A_35, %mul3A_36 : vector<4096x256xf32>
    %add3A_38 = arith.addf %mul3A_32, %mul3A_37 : vector<4096x256xf32>
    %get3A_39 = arith.constant 0 : index
    %get3A_40 = arith.constant 0 : index
    %get3A_41 = vector.load %arg9[%get3A_39, %get3A_40] : memref<1x256xf32, #tpu.memory_space<vmem>>, vector<1x256xf32>
    %add3A_42 = vector.broadcast %get3A_41 : vector<1x256xf32> to vector<4096x256xf32>
    %add3A_43 = arith.addf %add3A_38, %add3A_42 : vector<4096x256xf32>
    %swap3A_44 = arith.constant 0 : index
    %swap3A_45 = arith.constant 0 : index
    %swap3A_46 = vector.load %arg14[%swap3A_44, %swap3A_45] : memref<4096x256xf32, #tpu.memory_space<vmem>>, vector<4096x256xf32>
    tpu.vector_store %arg14[%swap3A_44, %swap3A_45], %add3A_43 {strides = array<i32>} : memref<4096x256xf32, #tpu.memory_space<vmem>>, vector<4096x256xf32>,
    %get3A_47 = arith.constant 0 : index
    %get3A_48 = arith.constant 0 : index
    %get3A_49 = vector.load %arg2[%get3A_47, %get3A_48] : memref<4096x256xf32, #tpu.memory_space<vmem>>, vector<4096x256xf32>
    %get3A_50 = arith.constant 0 : index
    %get3A_51 = arith.constant 0 : index
    %get3A_52 = vector.load %arg6[%get3A_50, %get3A_51] : memref<256x256xf32, #tpu.memory_space<vmem>>, vector<256x256xf32>
    %dot_general3A_53 = arith.constant dense<0.000000e+00> : vector<4096x256xf32>
    %dot_general3A_54 = tpu.matmul %get3A_49, %get3A_52, %dot_general3A_53 {dimension_numbers = #tpu.dot_dimension_numbers<[1], [0], [0], [1], [0, 0, 1, 1], [], []>, transpose_lhs_hint = false} : vector<4096x256xf32>, vector<256x256xf32>, vector<4096x256xf32> -> vector<4096x256xf32>
    %get3A_55 = arith.constant 0 : index
    %get3A_56 = arith.constant 0 : index
    %get3A_57 = vector.load %arg7[%get3A_55, %get3A_56] : memref<1x256xf32, #tpu.memory_space<vmem>>, vector<1x256xf32>
    %add3A_58 = vector.broadcast %get3A_57 : vector<1x256xf32> to vector<4096x256xf32>
    %add3A_59 = arith.addf %dot_general3A_54, %add3A_58 : vector<4096x256xf32>
    %max3A_60 = arith.constant 0.000000e+00 : f32
    %max3A_61 = vector.broadcast %max3A_60 : f32 to vector<4096x256xf32>
    %max3A_62 = arith.maximumf %add3A_59, %max3A_61 : vector<4096x256xf32>
    %swap3A_63 = arith.constant 0 : index
    %swap3A_64 = arith.constant 0 : index
    %swap3A_65 = vector.load %arg17[%swap3A_63, %swap3A_64] : memref<4096x256xf32, #tpu.memory_space<vmem>>, vector<4096x256xf32>
    tpu.vector_store %arg17[%swap3A_63, %swap3A_64], %max3A_62 {strides = array<i32>} : memref<4096x256xf32, #tpu.memory_space<vmem>>, vector<4096x256xf32>,
    %get3A_66 = arith.constant 0 : index
    %get3A_67 = arith.constant 0 : index
    %get3A_68 = vector.load %arg12[%get3A_66, %get3A_67] : memref<256x256xf32, #tpu.memory_space<vmem>>, vector<256x256xf32>
    %dot_general3A_69 = arith.constant dense<0.000000e+00> : vector<4096x256xf32>
    %dot_general3A_70 = tpu.matmul %max3A_62, %get3A_68, %dot_general3A_69 {dimension_numbers = #tpu.dot_dimension_numbers<[1], [0], [0], [1], [0, 0, 1, 1], [], []>, transpose_lhs_hint = false} : vector<4096x256xf32>, vector<256x256xf32>, vector<4096x256xf32> -> vector<4096x256xf32>
    %swap3A_71 = arith.constant 0 : index
    %swap3A_72 = arith.constant 0 : index
    %swap3A_73 = vector.load %arg15[%swap3A_71, %swap3A_72] : memref<4096x256xf32, #tpu.memory_space<vmem>>, vector<4096x256xf32>
    tpu.vector_store %arg15[%swap3A_71, %swap3A_72], %dot_general3A_70 {strides = array<i32>} : memref<4096x256xf32, #tpu.memory_space<vmem>>, vector<4096x256xf32>,
    %get3A_74 = arith.constant 0 : index
    %get3A_75 = arith.constant 0 : index
    %get3A_76 = vector.load %arg3[%get3A_74, %get3A_75] : memref<4096x2xf32, #tpu.memory_space<vmem>>, vector<4096x2xf32>
    %slice3A_77 = vector.extract_strided_slice %get3A_76 {offsets = [0, 0], sizes = [4096, 1], strides = [1, 1]} : vector<4096x2xf32> to vector<4096x1xf32>
    %slice3A_78 = vector.extract_strided_slice %get3A_29 {offsets = [0, 0], sizes = [1, 256], strides = [1, 1]} : vector<2x256xf32> to vector<1x256xf32>
    %mul3A_79 = vector.broadcast %slice3A_77 : vector<4096x1xf32> to vector<4096x256xf32>
    %mul3A_80 = vector.broadcast %slice3A_78 : vector<1x256xf32> to vector<4096x256xf32>
    %mul3A_81 = arith.mulf %mul3A_79, %mul3A_80 : vector<4096x256xf32>
    %slice3A_82 = vector.extract_strided_slice %get3A_76 {offsets = [0, 1], sizes = [4096, 1], strides = [1, 1]} : vector<4096x2xf32> to vector<4096x1xf32>
    %slice3A_83 = vector.extract_strided_slice %get3A_29 {offsets = [1, 0], sizes = [1, 256], strides = [1, 1]} : vector<2x256xf32> to vector<1x256xf32>
    %mul3A_84 = vector.broadcast %slice3A_82 : vector<4096x1xf32> to vector<4096x256xf32>
    %mul3A_85 = vector.broadcast %slice3A_83 : vector<1x256xf32> to vector<4096x256xf32>
    %mul3A_86 = arith.mulf %mul3A_84, %mul3A_85 : vector<4096x256xf32>
    %add3A_87 = arith.addf %mul3A_81, %mul3A_86 : vector<4096x256xf32>
    %swap3A_88 = arith.constant 0 : index
    %swap3A_89 = arith.constant 0 : index
    %swap3A_90 = vector.load %arg16[%swap3A_88, %swap3A_89] : memref<4096x256xf32, #tpu.memory_space<vmem>>, vector<4096x256xf32>
    tpu.vector_store %arg16[%swap3A_88, %swap3A_89], %add3A_87 {strides = array<i32>} : memref<4096x256xf32, #tpu.memory_space<vmem>>, vector<4096x256xf32>,
    return
  }
}

module attributes {stable_mosaic.version = 14 : i64} {
  func.func @_main_kernel(%arg0: i32, %arg1: i32, %arg2: memref<128x256xf32, #tpu.memory_space<vmem>>, %arg3: memref<128x256xf32, #tpu.memory_space<vmem>>, %arg4: memref<128x128xf32, #tpu.memory_space<vmem>>, %arg5: memref<256x256xf32, #tpu.memory_space<vmem>>, %arg6: memref<256x256xf32, #tpu.memory_space<vmem>>, %arg7: memref<8x256xf32, #tpu.memory_space<vmem>>, %arg8: memref<256x256xf32, #tpu.memory_space<vmem>>, %arg9: memref<256x256xf32, #tpu.memory_space<vmem>>, %arg10: memref<256x256xf32, #tpu.memory_space<vmem>>, %arg11: memref<256x256xf32, #tpu.memory_space<vmem>>, %arg12: memref<1x256xf32, #tpu.memory_space<vmem>>, %arg13: memref<1x256xf32, #tpu.memory_space<vmem>>, %arg14: memref<1x256xf32, #tpu.memory_space<vmem>>, %arg15: memref<256x256xf32, #tpu.memory_space<vmem>>, %arg16: memref<1x256xf32, #tpu.memory_space<vmem>>, %arg17: memref<256x256xf32, #tpu.memory_space<vmem>>, %arg18: memref<256x256xf32, #tpu.memory_space<vmem>>, %arg19: memref<256x128xf32, #tpu.memory_space<vmem>>) attributes {dimension_semantics = [#tpu.dimension_semantics<parallel>, #tpu.dimension_semantics<arbitrary>], iteration_bounds = array<i64: 16, 32>, scalar_prefetch = 0 : i64, scratch_operands = 2 : i64, tpu.core_type = #tpu.core_type<tc>, window_params = [{transform_indices = @transform_0, window_bounds = array<i64: 128, 256>}, {transform_indices = @transform_1, window_bounds = array<i64: 128, 256>}, {transform_indices = @transform_2, window_bounds = array<i64: 128, 128>}, {transform_indices = @transform_3, window_bounds = array<i64: 256, 256>}, {transform_indices = @transform_4, window_bounds = array<i64: 256, 256>}, {transform_indices = @transform_5, window_bounds = array<i64: 8, 256>}, {transform_indices = @transform_6, window_bounds = array<i64: 256, 256>}, {transform_indices = @transform_7, window_bounds = array<i64: 256, 256>}, {pipeline_mode = #tpu.pipeline_mode<synchronous>, transform_indices = @transform_8, window_bounds = array<i64: 256, 256>}, {pipeline_mode = #tpu.pipeline_mode<synchronous>, transform_indices = @transform_9, window_bounds = array<i64: 256, 256>}, {pipeline_mode = #tpu.pipeline_mode<synchronous>, transform_indices = @transform_10, window_bounds = array<i64: 1, 256>}, {pipeline_mode = #tpu.pipeline_mode<synchronous>, transform_indices = @transform_11, window_bounds = array<i64: 1, 256>}, {pipeline_mode = #tpu.pipeline_mode<synchronous>, transform_indices = @transform_12, window_bounds = array<i64: 1, 256>}, {pipeline_mode = #tpu.pipeline_mode<synchronous>, transform_indices = @transform_13, window_bounds = array<i64: 256, 256>}, {pipeline_mode = #tpu.pipeline_mode<synchronous>, transform_indices = @transform_14, window_bounds = array<i64: 1, 256>}, {transform_indices = @transform_15, window_bounds = array<i64: 256, 256>}]} {
    %eq3A = arith.constant 0 : i32
    %eq3A_0 = arith.cmpi eq, %arg1, %eq3A : i32
    %convert_element_type3A = arith.extui %eq3A_0 : i1 to i32
    %cond3A = arith.constant 0 : i32
    %cond3A_1 = arith.cmpi ne, %convert_element_type3A, %cond3A : i32
    scf.if %cond3A_1 {
      %broadcast_in_dim3A = arith.constant 0.000000e+00 : f32
      %broadcast_in_dim3A_41 = vector.broadcast %broadcast_in_dim3A : f32 to vector<256x256xf32>
      %swap3A = arith.constant 0 : index
      %swap3A_42 = arith.constant 0 : index
      %swap3A_43 = vector.load %arg18[%swap3A, %swap3A_42] : memref<256x256xf32, #tpu.memory_space<vmem>>, vector<256x256xf32>
      tpu.vector_store %arg18[%swap3A, %swap3A_42], %broadcast_in_dim3A_41 {strides = array<i32>} : memref<256x256xf32, #tpu.memory_space<vmem>>, vector<256x256xf32>,
      %broadcast_in_dim3A_44 = arith.constant 0.000000e+00 : f32
      %broadcast_in_dim3A_45 = vector.broadcast %broadcast_in_dim3A_44 : f32 to vector<256x128xf32>
      %swap3A_46 = arith.constant 0 : index
      %swap3A_47 = arith.constant 0 : index
      %swap3A_48 = vector.load %arg19[%swap3A_46, %swap3A_47] : memref<256x128xf32, #tpu.memory_space<vmem>>, vector<256x128xf32>
      tpu.vector_store %arg19[%swap3A_46, %swap3A_47], %broadcast_in_dim3A_45 {strides = array<i32>} : memref<256x128xf32, #tpu.memory_space<vmem>>, vector<256x128xf32>,
    } else {
    }
    %get3A = arith.constant 0 : index
    %get3A_2 = arith.constant 0 : index
    %get3A_3 = vector.load %arg4[%get3A, %get3A_2] : memref<128x128xf32, #tpu.memory_space<vmem>>, vector<128x1xf32>
    %get3A_4 = arith.constant 0 : index
    %get3A_5 = arith.constant 1 : index
    %get3A_6 = vector.load %arg4[%get3A_4, %get3A_5] : memref<128x128xf32, #tpu.memory_space<vmem>>, vector<128x1xf32>
    %get3A_7 = arith.constant 0 : index
    %get3A_8 = arith.constant 0 : index
    %get3A_9 = vector.load %arg7[%get3A_7, %get3A_8] : memref<8x256xf32, #tpu.memory_space<vmem>>, vector<1x256xf32>
    %get3A_10 = arith.constant 1 : index
    %get3A_11 = arith.constant 0 : index
    %get3A_12 = vector.load %arg7[%get3A_10, %get3A_11] : memref<8x256xf32, #tpu.memory_space<vmem>>, vector<1x256xf32>
    %reduce_min3A = vector.shape_cast %get3A_3 : vector<128x1xf32> to vector<1x128x1xf32>
    %reduce_min3A_13 = arith.constant dense<0x7F800000> : vector<1xf32>
    %reduce_min3A_14 = vector.multi_reduction <minimumf>, %reduce_min3A, %reduce_min3A_13 [1, 2] : vector<1x128x1xf32> to vector<1xf32>
    %reduce_min3A_15 = vector.shape_cast %reduce_min3A_14 : vector<1xf32> to vector<1x1x1xf32>
    %reduce_min3A_16 = vector.extract %reduce_min3A_15[0, 0, 0] : f32 from vector<1x1x1xf32>
    %reduce_max3A = vector.shape_cast %get3A_9 : vector<1x256xf32> to vector<1x1x256xf32>
    %reduce_max3A_17 = arith.constant dense<0xFF800000> : vector<1xf32>
    %reduce_max3A_18 = vector.multi_reduction <maximumf>, %reduce_max3A, %reduce_max3A_17 [1, 2] : vector<1x1x256xf32> to vector<1xf32>
    %reduce_max3A_19 = vector.shape_cast %reduce_max3A_18 : vector<1xf32> to vector<1x1x1xf32>
    %reduce_max3A_20 = vector.extract %reduce_max3A_19[0, 0, 0] : f32 from vector<1x1x1xf32>
    %add3A = arith.constant 5.000000e+00 : f32
    %add3A_21 = arith.addf %reduce_max3A_20, %add3A : f32
    %le3A = arith.cmpf ole, %reduce_min3A_16, %add3A_21 : f32
    %reduce_max3A_22 = vector.shape_cast %get3A_3 : vector<128x1xf32> to vector<1x128x1xf32>
    %reduce_max3A_23 = arith.constant dense<0xFF800000> : vector<1xf32>
    %reduce_max3A_24 = vector.multi_reduction <maximumf>, %reduce_max3A_22, %reduce_max3A_23 [1, 2] : vector<1x128x1xf32> to vector<1xf32>
    %reduce_max3A_25 = vector.shape_cast %reduce_max3A_24 : vector<1xf32> to vector<1x1x1xf32>
    %reduce_max3A_26 = vector.extract %reduce_max3A_25[0, 0, 0] : f32 from vector<1x1x1xf32>
    %reduce_min3A_27 = vector.shape_cast %get3A_9 : vector<1x256xf32> to vector<1x1x256xf32>
    %reduce_min3A_28 = arith.constant dense<0x7F800000> : vector<1xf32>
    %reduce_min3A_29 = vector.multi_reduction <minimumf>, %reduce_min3A_27, %reduce_min3A_28 [1, 2] : vector<1x1x256xf32> to vector<1xf32>
    %reduce_min3A_30 = vector.shape_cast %reduce_min3A_29 : vector<1xf32> to vector<1x1x1xf32>
    %reduce_min3A_31 = vector.extract %reduce_min3A_30[0, 0, 0] : f32 from vector<1x1x1xf32>
    %sub3A = arith.constant 5.000000e+00 : f32
    %sub3A_32 = arith.subf %reduce_min3A_31, %sub3A : f32
    %ge3A = arith.cmpf oge, %reduce_max3A_26, %sub3A_32 : f32
    %and3A = arith.andi %le3A, %ge3A : i1
    %convert_element_type3A_33 = arith.extui %and3A : i1 to i32
    %cond3A_34 = arith.constant 0 : i32
    %cond3A_35 = arith.cmpi ne, %convert_element_type3A_33, %cond3A_34 : i32
    scf.if %cond3A_35 {
      %sub3A_41 = vector.broadcast %get3A_3 : vector<128x1xf32> to vector<128x256xf32>
      %sub3A_42 = vector.broadcast %get3A_9 : vector<1x256xf32> to vector<128x256xf32>
      %sub3A_43 = arith.subf %sub3A_41, %sub3A_42 : vector<128x256xf32>
      %sub3A_44 = vector.broadcast %get3A_6 : vector<128x1xf32> to vector<128x256xf32>
      %sub3A_45 = vector.broadcast %get3A_12 : vector<1x256xf32> to vector<128x256xf32>
      %sub3A_46 = arith.subf %sub3A_44, %sub3A_45 : vector<128x256xf32>
      %mul3A = arith.mulf %sub3A_43, %sub3A_43 : vector<128x256xf32>
      %mul3A_47 = arith.mulf %sub3A_46, %sub3A_46 : vector<128x256xf32>
      %add3A_48 = arith.addf %mul3A, %mul3A_47 : vector<128x256xf32>
      %sqrt3A = math.sqrt %add3A_48 : vector<128x256xf32>
      %le3A_49 = arith.constant 5.000000e+00 : f32
      %le3A_50 = vector.broadcast %le3A_49 : f32 to vector<128x256xf32>
      %le3A_51 = arith.cmpf ole, %sqrt3A, %le3A_50 : vector<128x256xf32>
      %convert_element_type3A_52 = arith.extui %le3A_51 : vector<128x256xi1> to vector<128x256xi32>
      %convert_element_type3A_53 = arith.sitofp %convert_element_type3A_52 : vector<128x256xi32> to vector<128x256xf32>
      %get3A_54 = arith.constant 0 : index
      %get3A_55 = arith.constant 0 : index
      %get3A_56 = vector.load %arg3[%get3A_54, %get3A_55] : memref<128x256xf32, #tpu.memory_space<vmem>>, vector<128x256xf32>
      %get3A_57 = arith.constant 0 : index
      %get3A_58 = arith.constant 0 : index
      %get3A_59 = vector.load %arg6[%get3A_57, %get3A_58] : memref<256x256xf32, #tpu.memory_space<vmem>>, vector<256x256xf32>
      %broadcast_in_dim3A = vector.shape_cast %get3A_56 : vector<128x256xf32> to vector<128x1x256xf32>
      %broadcast_in_dim3A_60 = vector.shape_cast %get3A_59 : vector<256x256xf32> to vector<1x256x256xf32>
      %sub3A_61 = vector.broadcast %broadcast_in_dim3A : vector<128x1x256xf32> to vector<128x256x256xf32>
      %sub3A_62 = vector.broadcast %broadcast_in_dim3A_60 : vector<1x256x256xf32> to vector<128x256x256xf32>
      %sub3A_63 = arith.subf %sub3A_61, %sub3A_62 : vector<128x256x256xf32>
      %max3A = arith.constant 0.000000e+00 : f32
      %max3A_64 = vector.broadcast %max3A : f32 to vector<128x256x256xf32>
      %max3A_65 = arith.maximumf %sub3A_63, %max3A_64 : vector<128x256x256xf32>
      %reshape3A = vector.shape_cast %max3A_65 : vector<128x256x256xf32> to vector<32768x256xf32>
      %get3A_66 = arith.constant 0 : index
      %get3A_67 = arith.constant 0 : index
      %get3A_68 = vector.load %arg10[%get3A_66, %get3A_67] : memref<256x256xf32, #tpu.memory_space<vmem>>, vector<256x256xf32>
      %dot_general3A = arith.constant dense<0.000000e+00> : vector<32768x256xf32>
      %dot_general3A_69 = tpu.matmul %reshape3A, %get3A_68, %dot_general3A {dimension_numbers = #tpu.dot_dimension_numbers<[1], [0], [0], [1], [0, 0, 1, 1], [], []>, transpose_lhs_hint = false} : vector<32768x256xf32>, vector<256x256xf32>, vector<32768x256xf32> -> vector<32768x256xf32>
      %reshape3A_70 = vector.shape_cast %dot_general3A_69 : vector<32768x256xf32> to vector<128x256x256xf32>
      %get3A_71 = arith.constant 0 : index
      %get3A_72 = arith.constant 0 : index
      %get3A_73 = vector.load %arg2[%get3A_71, %get3A_72] : memref<128x256xf32, #tpu.memory_space<vmem>>, vector<128x256xf32>
      %broadcast_in_dim3A_74 = vector.shape_cast %get3A_73 : vector<128x256xf32> to vector<128x1x256xf32>
      %add3A_75 = vector.broadcast %broadcast_in_dim3A_74 : vector<128x1x256xf32> to vector<128x256x256xf32>
      %add3A_76 = arith.addf %reshape3A_70, %add3A_75 : vector<128x256x256xf32>
      %get3A_77 = arith.constant 0 : index
      %get3A_78 = arith.constant 0 : index
      %get3A_79 = vector.load %arg5[%get3A_77, %get3A_78] : memref<256x256xf32, #tpu.memory_space<vmem>>, vector<256x256xf32>
      %broadcast_in_dim3A_80 = vector.shape_cast %get3A_79 : vector<256x256xf32> to vector<1x256x256xf32>
      %add3A_81 = vector.broadcast %broadcast_in_dim3A_80 : vector<1x256x256xf32> to vector<128x256x256xf32>
      %add3A_82 = arith.addf %add3A_76, %add3A_81 : vector<128x256x256xf32>
      %max3A_83 = arith.constant 0.000000e+00 : f32
      %max3A_84 = vector.broadcast %max3A_83 : f32 to vector<128x256x256xf32>
      %max3A_85 = arith.maximumf %add3A_82, %max3A_84 : vector<128x256x256xf32>
      %get3A_86 = arith.constant 0 : index
      %get3A_87 = arith.constant 0 : index
      %get3A_88 = vector.load %arg18[%get3A_86, %get3A_87] : memref<256x256xf32, #tpu.memory_space<vmem>>, vector<256x256xf32>
      %broadcast_in_dim3A_89 = vector.shape_cast %convert_element_type3A_53 : vector<128x256xf32> to vector<128x256x1xf32>
      %mul3A_90 = vector.broadcast %broadcast_in_dim3A_89 : vector<128x256x1xf32> to vector<128x256x256xf32>
      %mul3A_91 = arith.mulf %mul3A_90, %max3A_85 : vector<128x256x256xf32>
      %reduce_sum3A = arith.constant dense<0.000000e+00> : vector<256x256xf32>
      %reduce_sum3A_92 = vector.multi_reduction <add>, %mul3A_91, %reduce_sum3A [0] : vector<128x256x256xf32> to vector<256x256xf32>
      %add3A_93 = arith.addf %get3A_88, %reduce_sum3A_92 : vector<256x256xf32>
      %swap3A = arith.constant 0 : index
      %swap3A_94 = arith.constant 0 : index
      %swap3A_95 = vector.load %arg18[%swap3A, %swap3A_94] : memref<256x256xf32, #tpu.memory_space<vmem>>, vector<256x256xf32>
      tpu.vector_store %arg18[%swap3A, %swap3A_94], %add3A_93 {strides = array<i32>} : memref<256x256xf32, #tpu.memory_space<vmem>>, vector<256x256xf32>,
      %broadcast_in_dim3A_96 = arith.constant 1.000000e+00 : f32
      %broadcast_in_dim3A_97 = vector.broadcast %broadcast_in_dim3A_96 : f32 to vector<128x128xf32>
      %get3A_98 = arith.constant 0 : index
      %get3A_99 = arith.constant 0 : index
      %get3A_100 = vector.load %arg19[%get3A_98, %get3A_99] : memref<256x128xf32, #tpu.memory_space<vmem>>, vector<256x128xf32>
      %dot_general3A_101 = arith.constant dense<0.000000e+00> : vector<256x128xf32>
      %dot_general3A_102 = tpu.matmul %convert_element_type3A_53, %broadcast_in_dim3A_97, %dot_general3A_101 {dimension_numbers = #tpu.dot_dimension_numbers<[0], [0], [1], [1], [0, 1, 1, 1], [], []>, transpose_lhs_hint = false} : vector<128x256xf32>, vector<128x128xf32>, vector<256x128xf32> -> vector<256x128xf32>
      %add3A_103 = arith.addf %get3A_100, %dot_general3A_102 : vector<256x128xf32>
      %swap3A_104 = arith.constant 0 : index
      %swap3A_105 = arith.constant 0 : index
      %swap3A_106 = vector.load %arg19[%swap3A_104, %swap3A_105] : memref<256x128xf32, #tpu.memory_space<vmem>>, vector<256x128xf32>
      tpu.vector_store %arg19[%swap3A_104, %swap3A_105], %add3A_103 {strides = array<i32>} : memref<256x128xf32, #tpu.memory_space<vmem>>, vector<256x128xf32>,
    } else {
    }
    %eq3A_36 = arith.constant 31 : i32
    %eq3A_37 = arith.cmpi eq, %arg1, %eq3A_36 : i32
    %convert_element_type3A_38 = arith.extui %eq3A_37 : i1 to i32
    %cond3A_39 = arith.constant 0 : i32
    %cond3A_40 = arith.cmpi ne, %convert_element_type3A_38, %cond3A_39 : i32
    scf.if %cond3A_40 {
      %get3A_41 = arith.constant 0 : index
      %get3A_42 = arith.constant 0 : index
      %get3A_43 = vector.load %arg19[%get3A_41, %get3A_42] : memref<256x128xf32, #tpu.memory_space<vmem>>, vector<256x1xf32>
      %get3A_44 = arith.constant 0 : index
      %get3A_45 = arith.constant 0 : index
      %get3A_46 = vector.load %arg8[%get3A_44, %get3A_45] : memref<256x256xf32, #tpu.memory_space<vmem>>, vector<256x256xf32>
      %get3A_47 = arith.constant 0 : index
      %get3A_48 = arith.constant 0 : index
      %get3A_49 = vector.load %arg18[%get3A_47, %get3A_48] : memref<256x256xf32, #tpu.memory_space<vmem>>, vector<256x256xf32>
      %get3A_50 = arith.constant 0 : index
      %get3A_51 = arith.constant 0 : index
      %get3A_52 = vector.load %arg11[%get3A_50, %get3A_51] : memref<256x256xf32, #tpu.memory_space<vmem>>, vector<256x256xf32>
      %dot_general3A = arith.constant dense<0.000000e+00> : vector<256x256xf32>
      %dot_general3A_53 = tpu.matmul %get3A_49, %get3A_52, %dot_general3A {dimension_numbers = #tpu.dot_dimension_numbers<[1], [0], [0], [1], [0, 0, 1, 1], [], []>, transpose_lhs_hint = false} : vector<256x256xf32>, vector<256x256xf32>, vector<256x256xf32> -> vector<256x256xf32>
      %add3A_54 = arith.addf %get3A_46, %dot_general3A_53 : vector<256x256xf32>
      %get3A_55 = arith.constant 0 : index
      %get3A_56 = arith.constant 0 : index
      %get3A_57 = vector.load %arg12[%get3A_55, %get3A_56] : memref<1x256xf32, #tpu.memory_space<vmem>>, vector<1x256xf32>
      %mul3A = vector.broadcast %get3A_43 : vector<256x1xf32> to vector<256x256xf32>
      %mul3A_58 = vector.broadcast %get3A_57 : vector<1x256xf32> to vector<256x256xf32>
      %mul3A_59 = arith.mulf %mul3A, %mul3A_58 : vector<256x256xf32>
      %add3A_60 = arith.addf %add3A_54, %mul3A_59 : vector<256x256xf32>
      %reduce_sum3A = arith.constant dense<0.000000e+00> : vector<256xf32>
      %reduce_sum3A_61 = vector.multi_reduction <add>, %add3A_60, %reduce_sum3A [1] : vector<256x256xf32> to vector<256xf32>
      %broadcast_in_dim3A = vector.shape_cast %reduce_sum3A_61 : vector<256xf32> to vector<256x1xf32>
      %div3A = arith.constant 2.560000e+02 : f32
      %div3A_62 = vector.broadcast %div3A : f32 to vector<256x1xf32>
      %div3A_63 = arith.divf %broadcast_in_dim3A, %div3A_62 : vector<256x1xf32>
      %sub3A_64 = vector.broadcast %div3A_63 : vector<256x1xf32> to vector<256x256xf32>
      %sub3A_65 = arith.subf %add3A_60, %sub3A_64 : vector<256x256xf32>
      %mul3A_66 = arith.mulf %sub3A_65, %sub3A_65 : vector<256x256xf32>
      %reduce_sum3A_67 = arith.constant dense<0.000000e+00> : vector<256xf32>
      %reduce_sum3A_68 = vector.multi_reduction <add>, %mul3A_66, %reduce_sum3A_67 [1] : vector<256x256xf32> to vector<256xf32>
      %broadcast_in_dim3A_69 = vector.shape_cast %reduce_sum3A_68 : vector<256xf32> to vector<256x1xf32>
      %div3A_70 = arith.constant 2.560000e+02 : f32
      %div3A_71 = vector.broadcast %div3A_70 : f32 to vector<256x1xf32>
      %div3A_72 = arith.divf %broadcast_in_dim3A_69, %div3A_71 : vector<256x1xf32>
      %add3A_73 = arith.constant 9.99999974E-6 : f32
      %add3A_74 = vector.broadcast %add3A_73 : f32 to vector<256x1xf32>
      %add3A_75 = arith.addf %div3A_72, %add3A_74 : vector<256x1xf32>
      %sqrt3A = math.sqrt %add3A_75 : vector<256x1xf32>
      %div3A_76 = vector.broadcast %sqrt3A : vector<256x1xf32> to vector<256x256xf32>
      %div3A_77 = arith.divf %sub3A_65, %div3A_76 : vector<256x256xf32>
      %get3A_78 = arith.constant 0 : index
      %get3A_79 = arith.constant 0 : index
      %get3A_80 = vector.load %arg13[%get3A_78, %get3A_79] : memref<1x256xf32, #tpu.memory_space<vmem>>, vector<1x256xf32>
      %mul3A_81 = vector.broadcast %get3A_80 : vector<1x256xf32> to vector<256x256xf32>
      %mul3A_82 = arith.mulf %div3A_77, %mul3A_81 : vector<256x256xf32>
      %get3A_83 = arith.constant 0 : index
      %get3A_84 = arith.constant 0 : index
      %get3A_85 = vector.load %arg14[%get3A_83, %get3A_84] : memref<1x256xf32, #tpu.memory_space<vmem>>, vector<1x256xf32>
      %add3A_86 = vector.broadcast %get3A_85 : vector<1x256xf32> to vector<256x256xf32>
      %add3A_87 = arith.addf %mul3A_82, %add3A_86 : vector<256x256xf32>
      %max3A = arith.constant 0.000000e+00 : f32
      %max3A_88 = vector.broadcast %max3A : f32 to vector<256x256xf32>
      %max3A_89 = arith.maximumf %add3A_87, %max3A_88 : vector<256x256xf32>
      %get3A_90 = arith.constant 0 : index
      %get3A_91 = arith.constant 0 : index
      %get3A_92 = vector.load %arg15[%get3A_90, %get3A_91] : memref<256x256xf32, #tpu.memory_space<vmem>>, vector<256x256xf32>
      %dot_general3A_93 = arith.constant dense<0.000000e+00> : vector<256x256xf32>
      %dot_general3A_94 = tpu.matmul %max3A_89, %get3A_92, %dot_general3A_93 {dimension_numbers = #tpu.dot_dimension_numbers<[1], [0], [0], [1], [0, 0, 1, 1], [], []>, transpose_lhs_hint = false} : vector<256x256xf32>, vector<256x256xf32>, vector<256x256xf32> -> vector<256x256xf32>
      %get3A_95 = arith.constant 0 : index
      %get3A_96 = arith.constant 0 : index
      %get3A_97 = vector.load %arg16[%get3A_95, %get3A_96] : memref<1x256xf32, #tpu.memory_space<vmem>>, vector<1x256xf32>
      %add3A_98 = vector.broadcast %get3A_97 : vector<1x256xf32> to vector<256x256xf32>
      %add3A_99 = arith.addf %dot_general3A_94, %add3A_98 : vector<256x256xf32>
      %get3A_100 = arith.constant 0 : index
      %get3A_101 = arith.constant 0 : index
      %get3A_102 = vector.load %arg9[%get3A_100, %get3A_101] : memref<256x256xf32, #tpu.memory_space<vmem>>, vector<256x256xf32>
      %add3A_103 = arith.addf %add3A_99, %get3A_102 : vector<256x256xf32>
      %max3A_104 = arith.constant 0.000000e+00 : f32
      %max3A_105 = vector.broadcast %max3A_104 : f32 to vector<256x256xf32>
      %max3A_106 = arith.maximumf %add3A_103, %max3A_105 : vector<256x256xf32>
      %swap3A = arith.constant 0 : index
      %swap3A_107 = arith.constant 0 : index
      %swap3A_108 = vector.load %arg17[%swap3A, %swap3A_107] : memref<256x256xf32, #tpu.memory_space<vmem>>, vector<256x256xf32>
      tpu.vector_store %arg17[%swap3A, %swap3A_107], %max3A_106 {strides = array<i32>} : memref<256x256xf32, #tpu.memory_space<vmem>>, vector<256x256xf32>,
    } else {
    }
    return
  }
  func.func @transform_0(%arg0: i32, %arg1: i32) -> (i32, i32) {
    %c0_i32 = arith.constant 0 : i32
    %c0_i32_0 = arith.constant 0 : i32
    return %arg1, %c0_i32 : i32, i32
  }
  func.func @transform_1(%arg0: i32, %arg1: i32) -> (i32, i32) {
    %c0_i32 = arith.constant 0 : i32
    %c0_i32_0 = arith.constant 0 : i32
    return %arg1, %c0_i32 : i32, i32
  }
  func.func @transform_2(%arg0: i32, %arg1: i32) -> (i32, i32) {
    %c0_i32 = arith.constant 0 : i32
    %c0_i32_0 = arith.constant 0 : i32
    return %arg1, %c0_i32 : i32, i32
  }
  func.func @transform_3(%arg0: i32, %arg1: i32) -> (i32, i32) {
    %c0_i32 = arith.constant 0 : i32
    %c0_i32_0 = arith.constant 0 : i32
    return %arg0, %c0_i32 : i32, i32
  }
  func.func @transform_4(%arg0: i32, %arg1: i32) -> (i32, i32) {
    %c0_i32 = arith.constant 0 : i32
    %c0_i32_0 = arith.constant 0 : i32
    return %arg0, %c0_i32 : i32, i32
  }
  func.func @transform_5(%arg0: i32, %arg1: i32) -> (i32, i32) {
    %c0_i32 = arith.constant 0 : i32
    %c0_i32_0 = arith.constant 0 : i32
    return %c0_i32, %arg0 : i32, i32
  }
  func.func @transform_6(%arg0: i32, %arg1: i32) -> (i32, i32) {
    %c0_i32 = arith.constant 0 : i32
    %c0_i32_0 = arith.constant 0 : i32
    return %arg0, %c0_i32 : i32, i32
  }
  func.func @transform_7(%arg0: i32, %arg1: i32) -> (i32, i32) {
    %c0_i32 = arith.constant 0 : i32
    %c0_i32_0 = arith.constant 0 : i32
    return %arg0, %c0_i32 : i32, i32
  }
  func.func @transform_8(%arg0: i32, %arg1: i32) -> (i32, i32) {
    %c0_i32 = arith.constant 0 : i32
    %c0_i32_0 = arith.constant 0 : i32
    %c0_i32_1 = arith.constant 0 : i32
    return %c0_i32, %c0_i32_0 : i32, i32
  }
  func.func @transform_9(%arg0: i32, %arg1: i32) -> (i32, i32) {
    %c0_i32 = arith.constant 0 : i32
    %c0_i32_0 = arith.constant 0 : i32
    %c0_i32_1 = arith.constant 0 : i32
    return %c0_i32, %c0_i32_0 : i32, i32
  }
  func.func @transform_10(%arg0: i32, %arg1: i32) -> (i32, i32) {
    %c0_i32 = arith.constant 0 : i32
    %c0_i32_0 = arith.constant 0 : i32
    %c0_i32_1 = arith.constant 0 : i32
    return %c0_i32, %c0_i32_0 : i32, i32
  }
  func.func @transform_11(%arg0: i32, %arg1: i32) -> (i32, i32) {
    %c0_i32 = arith.constant 0 : i32
    %c0_i32_0 = arith.constant 0 : i32
    %c0_i32_1 = arith.constant 0 : i32
    return %c0_i32, %c0_i32_0 : i32, i32
  }
  func.func @transform_12(%arg0: i32, %arg1: i32) -> (i32, i32) {
    %c0_i32 = arith.constant 0 : i32
    %c0_i32_0 = arith.constant 0 : i32
    %c0_i32_1 = arith.constant 0 : i32
    return %c0_i32, %c0_i32_0 : i32, i32
  }
  func.func @transform_13(%arg0: i32, %arg1: i32) -> (i32, i32) {
    %c0_i32 = arith.constant 0 : i32
    %c0_i32_0 = arith.constant 0 : i32
    %c0_i32_1 = arith.constant 0 : i32
    return %c0_i32, %c0_i32_0 : i32, i32
  }
  func.func @transform_14(%arg0: i32, %arg1: i32) -> (i32, i32) {
    %c0_i32 = arith.constant 0 : i32
    %c0_i32_0 = arith.constant 0 : i32
    %c0_i32_1 = arith.constant 0 : i32
    return %c0_i32, %c0_i32_0 : i32, i32
  }
  func.func @transform_15(%arg0: i32, %arg1: i32) -> (i32, i32) {
    %c0_i32 = arith.constant 0 : i32
    %c0_i32_0 = arith.constant 0 : i32
    return %arg0, %c0_i32 : i32, i32
  }
}

</mosaic_0001>

<sc_bundles>
// kernel: gather_offload_async_start.1
scs
__scs_entry_jumppad:
0x0: {  	(pc) =	sbr.rel $0x88, $3  }
0x1: {  	(tag) =	ssettag $0x0;
	lr =	simm.s32 $0x1  }
0x2: {  	[smem:$0x3F8F] =	sst lr;
	_ =	strace $0xD0000000  }
0x3: {  	_ = 	snop  }
0x4: {  	_ = 	snop  }
0x5: {  	_ = 	snop  }
0x6: {  	_ = 	snop  }
0x7: {  	_ = 	snop  }
__scs_overlays_trampoline_lowered:
0x8: {  	[smem:$0x3F9E] =	sst s0  }
0x9: {  	[smem:$0x3F9F] =	sst s1  }
0xa: {  	[smem:$0x3FA0] =	sst s2  }
0xb: {  	[smem:$0x3FA1] =	sst s3  }
0xc: {  	[smem:$0x3FA2] =	sst s4  }
0xd: {  	[smem:$0x3FA3] =	sst s5  }
0xe: {  	[smem:$0x3FA4] =	sst s6  }
0xf: {  	[smem:$0x3FA5] =	sst s7  }
0x10: {  	[smem:$0x3FA6] =	sst s8  }
0x11: {  	[smem:$0x3FA7] =	sst s9;
	s0 =	simm.s32 @!p0 $0x0  }
0x12: {  	s1 =	sld [smem:$0x3F8D];
	s0 =	simm.s32 @p0 $0x1  }
0x13: {  	[smem:$0x3FA8] =	sst s0;
	s0 =	simm.s32 @!p1 $0x0  }
0x14: {  	s2 =	sld [smem:$0x3F8C];
	s0 =	simm.s32 @p1 $0x1  }
0x15: {  	[smem:$0x3FA9] =	sst s0;
	s0 =	simm.s32 @!p2 $0x0  }
0x16: {  	s3 =	sld [smem:$0x3FDB];
	s0 =	simm.s32 @p2 $0x1  }
0x17: {  	s4 =	simm.s32 $0x1BF5;
	[smem:$0x3FAB] =	sst s0  }
0x18: {  	s0 =	sld [smem:$0x3F8E];
	_ =	swait.ge [sflag:s4], $0x0  }
0x19: {  	s7 =	sld [smem:$0x3F8F]  }
0x1a: {  	s8 =	sadd.s32 $0xFFFFE003, lr  }
0x1b: {  	s9 =	sadd.s32 $0xFFFFFEF7, lr;
	s5 =	simm.s32 $0xFFFFFFFF;
	p2 =	slt.u32 s8, $0xFFFFF086  }
0x1c: {  	p1 =	slt.u32 s9, $0xF7A;
	s5 =	simm.s32 @!p2 $0x0  }
0x1d: {  	s5 =	simm.s32 @p1 $0x1;
	p0 =	seq.s32 s7, s2  }
0x1e: {  	s7 =	smul.u32 @!p0 $0xF7A, s2;
	p2 =	seq.s32 @!p0 s5, $0x0  }
0x1f: {  	s9 =	smul.u32 $0xF7A, s1;
	s8 =	simm.s32 @!p0 $0x1BF5;
	p2 =	por !p2, p0  }
0x20: {  	[sflag:s8] =	ssyncset.s32 @!p0 $0xFFFFF086;
	s6 =	sadd.s32 @!p0 s3, s7;
	s7 =	simm.s32 @!p0 $0x108  }
0x21: {  	s3 =	sadd.s32 s3, s9;
	s6 =	sadd.s32 @!p0 $0x88, s6;
	s7 =	simm.s32 @p2 $0x1082  }
0x22: {  	[simem:s7], [sflag:s8] =	dma.local @!p0 [hbm:s6], $0xF7A  }
0x23: {  	s9 =	sor.u32 $0xD0000000, s2;
	s6 =	simm.s32 $0x108;
	_ =	swait.ge @!p0 [sflag:s8], $0x0  }
0x24: {  	s3 =	sadd.s32 $0x88, s3;
	s6 =	simm.s32 @!p1 $0x1082;
	[sflag:s4] =	ssyncset.s32 $0xFFFFF086  }
0x25: {  	[simem:s6], [sflag:s4] =	dma.local [hbm:s3], $0xF7A  }
0x26: {  	[smem:$0x3F8F] =	sst s1;
	(tag) =	ssettag s2;
	_ =	strace s9  }
0x27: {  	s1 =	sld [smem:$0x3F9F]  }
0x28: {  	s2 =	sld [smem:$0x3FA0]  }
0x29: {  	s4 =	sld [smem:$0x3FA2]  }
0x2a: {  	p0 =	seq.s32 s5, $0x0;
	s5 =	sld [smem:$0x3FA3]  }
0x2b: {  	s6 =	sld [smem:$0x3FA4]  }
0x2c: {  	s7 =	sld [smem:$0x3FA5]  }
0x2d: {  	s3 =	simm.s32 $0x108;
	s8 =	sld [smem:$0x3FA6]  }
0x2e: {  	s3 =	simm.s32 @!p0 $0x1082;
	s9 =	sld [smem:$0x3FA7]  }
0x2f: {  	lr =	sadd.s32 s0, s3;
	s0 =	sld [smem:$0x3F9E]  }
0x30: {  	s3 =	sld [smem:$0x3FA1]  }
0x31: {  	[smem:$0x3FAA] =	sst s10  }
0x32: {  	s10 =	sld [smem:$0x3FA8];
	_ =	sdelay $0x3  }
0x33: {  	p0 =	seq.s32 s10, $0x1;
	s10 =	sld [smem:$0x3FAA];
	_ =	sdelay $0x3  }
0x34: {  	[smem:$0x3FAA] =	sst s10  }
0x35: {  	s10 =	sld [smem:$0x3FA9];
	_ =	sdelay $0x3  }
0x36: {  	p1 =	seq.s32 s10, $0x1;
	s10 =	sld [smem:$0x3FAA];
	_ =	sdelay $0x3  }
0x37: {  	[smem:$0x3FAA] =	sst s10  }
0x38: {  	s10 =	sld [smem:$0x3FAB]  }
0x39: {  	_ = 	snop;
	(pc) =	sbr.ind lr, $3  }
0x3a: {  	_ = 	snop  }
0x3b: {  	_ = 	snop  }
0x3c: {  	p2 =	seq.s32 s10, $0x1;
	s10 =	sld [smem:$0x3FAA]  }
0x3d: {  	_ =	shalt  }
0x3e: {  	_ =	shalt  }
0x3f: {  	_ =	shalt  }
0x40: {  	_ =	shalt  }
0x41: {  	_ =	shalt  }
0x42: {  	_ =	shalt  }
0x43: {  	_ =	shalt  }
0x44: {  	_ =	shalt  }
0x45: {  	_ =	shalt  }
0x46: {  	_ =	shalt  }
0x47: {  	_ =	shalt  }
0x48: {  	_ =	shalt  }
0x49: {  	_ =	shalt  }
0x4a: {  	_ =	shalt  }
0x4b: {  	_ =	shalt  }
0x4c: {  	_ =	shalt  }
0x4d: {  	_ =	shalt  }
0x4e: {  	_ =	shalt  }
0x4f: {  	_ =	shalt  }
0x50: {  	_ =	shalt  }
0x51: {  	_ =	shalt  }
0x52: {  	_ =	shalt  }
0x53: {  	_ =	shalt  }
0x54: {  	_ =	shalt  }
0x55: {  	_ =	shalt  }
0x56: {  	_ =	shalt  }
0x57: {  	_ =	shalt  }
0x58: {  	_ =	shalt  }
0x59: {  	_ =	shalt  }
0x5a: {  	_ =	shalt  }
0x5b: {  	_ =	shalt  }
0x5c: {  	_ =	shalt  }
0x5d: {  	_ =	shalt  }
0x5e: {  	_ =	shalt  }
0x5f: {  	_ =	shalt  }
0x60: {  	_ =	shalt  }
0x61: {  	_ =	shalt  }
0x62: {  	_ =	shalt  }
0x63: {  	_ =	shalt  }
0x64: {  	_ =	shalt  }
0x65: {  	_ =	shalt  }
0x66: {  	_ =	shalt  }
0x67: {  	_ =	shalt  }
0x68: {  	_ =	shalt  }
0x69: {  	_ =	shalt  }
0x6a: {  	_ =	shalt  }
0x6b: {  	_ =	shalt  }
0x6c: {  	_ =	shalt  }
0x6d: {  	_ =	shalt  }
0x6e: {  	_ =	shalt  }
0x6f: {  	_ =	shalt  }
0x70: {  	_ =	shalt  }
0x71: {  	_ =	shalt  }
0x72: {  	_ =	shalt  }
0x73: {  	_ =	shalt  }
0x74: {  	_ =	shalt  }
0x75: {  	_ =	shalt  }
0x76: {  	_ =	shalt  }
0x77: {  	_ =	shalt  }
0x78: {  	_ =	shalt  }
0x79: {  	_ =	shalt  }
0x7a: {  	_ =	shalt  }
0x7b: {  	_ =	shalt  }
0x7c: {  	_ =	shalt  }
0x7d: {  	_ =	shalt  }
0x7e: {  	_ =	shalt  }
0x7f: {  	_ =	shalt  }
0x80: {  	_ =	shalt  }
0x81: {  	_ =	shalt  }
0x82: {  	_ =	shalt  }
0x83: {  	_ =	shalt  }
0x84: {  	_ =	shalt  }
0x85: {  	_ =	shalt  }
0x86: {  	_ =	shalt  }
0x87: {  	_ =	shalt  }
.Lfunc_end0:
.L_simem_size_0:
called_computation.1_lowered:
.L_overlay_start_0:
0x88: {  	s2 =	sld [smem:$0x3FD9]  }
0x89: {  	s3 =	sld [smem:$0x3FFE];
	_ =	sdelay $0x1  }
0x8a: {  	s1 =	srdreg.scid  }
0x8b: {  	s0 =	sand.u32 $0x1, s1  }
0x8c: {  	s16 =	sshll.u32 s0, $0xA;
	s2 =	sadd.s32 s3, s2  }
0x8d: {  	s2 =	sadd.s32 s2, s16  }
0x8e: {  	[smem:$0x3FB6] =	sst s2  }
0x8f: {  	_ = 	snop  }
0x90: {  	(tm) =	ssettm $0x1  }
0x91: {  	s17 =	sld [smem:$0x3FFB];
	_ =	sdelay $0x3  }
0x92: {  	_ =	strace s17  }
0x93: {  	s2 =	sld [smem:$0x3FFC];
	_ =	sdelay $0x3  }
0x94: {  	_ =	strace s2  }
0x95: {  	s2 =	sld [smem:$0x3FFD];
	_ =	sdelay $0x3  }
0x96: {  	_ =	strace s2  }
0x97: {  	_ =	strace $0x8FFFFFFF  }
0x98: {  	s18 =	sld [smem:$0x3FDB];
	_ =	sdelay $0x1  }
0x99: {  	s19 =	simm.s32 $_scs_section_size  }
0x9a: {  	s4 =	simm.s32 $_size__tile_overlayer_lowered;
	s5 =	simm.s32 $_tile_overlayer_lowered  }
0x9b: {  	s22 =	simm.s32 $0x1BFF;
	s21 =	sshll.u32 s5, $0x1;
	s2 =	sadd.s32 s19, s18  }
0x9c: {  	s6 =	simm.s32 $0x0;
	s20 =	sshll.u32 s4, $0x1;
	s4 =	sadd.s32 s21, s2  }
0x9d: {  	[timem:s6], [sflag:s22] =	dma.local [hbm:s4], s20  }
0x9e: {  	_ =	swait.ge [sflag:s22], s20  }
0x9f: {  	s3 =	ssub.s32 $0x0, s20;
	[sflag:s22] =	ssyncset.done $0x0  }
0xa0: {  	[sflag:s22] =	ssyncadd.s32 s3;
	_ =	sdelay $0x1  }
0xa1: {  	s23 =	simm.s32 $0x1B8B  }
0xa2: {  	_ =	swait.ge [sflag:s23], $0x1  }
0xa3: {  	[sflag:s23] =	ssyncset.done $0x0  }
0xa4: {  	s25 =	simm.s32 $0x1B8E;
	s24 =	sld [smem:$0x3FFE];
	[sflag:s23] =	ssyncadd.s32 $0xFFFFFFFF  }
0xa5: {  	s26 =	simm.s32 $execute0_lowered;
	[smem:$0x3FD2] =	sst s25  }
0xa6: {  	s4 =	sshll.u32 s26, $0x1;
	_ =	strace $0x80000049;
	[dreg:$0x1] =	wrdreg $0xFFFFFFFF  }
0xa7: {  	s28 =	simm.s32 $_size_execute0_lowered;
	s2 =	sadd.s32 s2, s4;
	[dreg:$0x0] =	wrdreg $0x0  }
0xa8: {  	s4 =	sshll.u32 s28, $0x1;
	[dreg:$0x2] =	wrdreg s2  }
0xa9: {  	[dreg:$0x3] =	wrdreg s4  }
0xaa: {  	[dreg:$0x4] =	wrdreg $0xC0  }
0xab: {  	_ =	task [dreg:s6], $0x5FFFF  }
0xac: {  	[dreg:$0x1] =	wrdreg $0xFFFFFFFF  }
0xad: {  	[dreg:$0x0] =	wrdreg $0x60  }
0xae: {  	[dreg:$0x2] =	wrdreg s24  }
0xaf: {  	[dreg:$0x3] =	wrdreg $0xA  }
0xb0: {  	_ =	task.clear_ibuf [dreg:s6], $0x4FFFF;
	_ =	strace $0x90000049  }
0xb1: {  	s29 =	simm.s32 $0xA;
	_ =	strace $0x8000004B  }
0xb2: {  	_ =	swait.ge [sflag:s29], $0x1  }
0xb3: {  	[sflag:s29] =	ssyncadd.s32 $0xFFFFFFFF  }
0xb4: {  	_ =	strace $0x9000004B  }
0xb5: {  	_ =	sfence  }
0xb6: {  	s30 =	sld [smem:$0x0];
	_ =	sdelay $0x2  }
0xb7: {  	s31 =	sshll.u32 s1, $0xD;
	s1 =	sshrl.u32 s1, $0x2  }
0xb8: {  	s3 =	sand.u32 $0x4000, s31;
	s1 =	sadd.s32 s1, s30  }
0xb9: {  	s0 =	sor.u32 s3, s0;
	s1 =	sshll.u32 s1, $0x11  }
0xba: {  	s0 =	sor.u32 s1, s0  }
0xbb: {  	s0 =	sadd.s32 $0x8F2B, s0  }
0xbc: {  	[sflag:s0] =	ssyncadd.remote.s32 $0x1  }
0xbd: {  	_ =	sfence.sel $0xFFFF  }
0xbe: {  	[dreg:$0x0] =	wrdreg $0xFFFFFFFF;
	(pc) =	sbr.abs _section_cstart, $3  }
0xbf: {  	[dreg:$0x1] =	wrdreg $0xFFFFFFFF  }
0xc0: {  	_ =	task.clear_ibuf [dreg:s6], $0x2FFFF;
	_ =	strace $0x9FFFFFFF  }
0xc1: {  	(tm) =	ssettm $0x7FFFFFFF  }
tec
execute0_lowered:
.L_overlay_start_1:
0x0: {  	(tag) =	ssettag $0x1  }
0x1: {  	s7 =	rddreg [dreg:$0x0]  }
0x2: {  	s0 =	rddreg [dreg:$0x1];
	_ =	strace $0x8000004A  }
0x3: {  	s1 =	srdreg.scid;
	s4 =	simm.s32 $0x1;
	s9 =	simm.s32 $0x3  }
0x4: {  	s12 =	simm.s32 $0x0;
	s10 =	simm.s32 $0x0;
	s5 =	sshll.u32 s1, $0x4  }
.Ltmp0:
0x5: {  	s1 =	stileid.u32;
	s5 =	sand.u32 $0x10, s5;
	(pc) =	sbr.rel .LBB2_1-.Ltmp0, $4  }
0x6: {  	s2 =	sadd.s32 $0x10800, s7;
	s3 =	sadd.s32 $0x200, s7;
	s6 =	sor.u32 s1, s5  }
0x7: {  	[sflag:s4] =	ssyncpa.u1 $0x0;
	s5 =	simm.s32 $0x2;
	s6 =	sshll.u32 s6, $0x7  }
0x8: {  	s7 =	sadd.s32 $0x800, s7;
	[sflag:s5] =	ssyncpa.u1 $0x0;
	s8 =	sadd.s32 $0x80, s6  }
0x9: {  	vm0 =	vmmov $0xff;
	vm1 =	vcmask $0x3F20;
	[sflag:s9] =	ssyncpa.u1 $0x0;
	s9 =	simm.s32 $0x80;
	s11 =	smov.u32 s6  }
.LBB2_9:
0xa: {  	p0 =	seq.s32 s10, $0x2  }
.Ltmp1:
0xb: {  	_ = 	snop;
	(pc) =	sbr.rel @p0 .LBB2_11-.Ltmp1, $1  }
0xc: {  	_ =	sdelay $0x3  }
.LBB2_10:
0xd: {  	s12 =	sadd.s32 $0x80, s11  }
0xe: {  	s13 =	smov.u32 s6;
	p0 =	slt.s32 s12, s8  }
0xf: {  	s13 =	smov.u32 @p0 s12  }
0x10: {  	s10 =	sadd.s32 $0x1, s10;
	s12 =	smov.u32 s11;
	s11 =	smov.u32 s13  }
.LBB2_1:
0x11: {  	p0 =	sne.s32 s10, $0x0  }
.Ltmp2:
0x12: {  	_ = 	snop;
	(pc) =	sbr.rel @!p0 .LBB2_2-.Ltmp2, $1  }
0x13: {  	_ =	sdelay $0x3  }
0x14: {  	s13 =	sand.u32 $0x1, s10  }
0x15: {  	p0 =	seq.s32 s13, $0x0  }
.Ltmp3:
0x16: {  	_ = 	snop;
	(pc) =	sbr.rel @p0 .LBB2_9-.Ltmp3, $1  }
0x17: {  	_ =	sdelay $0x3  }
0x18: {  	_ =	swait.ge [sflag:s5], $0x80  }
0x19: {  	[sflag:s5] =	ssyncset.done $0x0  }
0x1a: {  	s13 =	simm.s32 $0x0;
	[sflag:s5] =	ssyncadd.s32 $0xFFFFFF80  }
0x1b: {  	v0 =	vld.msk [tilespmem:s13+$0x80 ss:$0x1], $0xffff;
	_ =	sdelay $0x4  }
0x1c: {  	vm2 =	vgt.s32 v0, $0x0  }
0x1d: {  	v0 =	vnsel vm2, $0x0, v0  }
0x1e: {  	v0 =	vmin.u32 v0, $0xFFF  }
0x1f: {  	v0 =	vshll.u32 v0, $0x4;
	_ =	sdelay $0x3  }
0x20: {  	s13 =	simm.s32 $0x4100  }
0x21: {  	[tilespmem:s13], [sflag:$0x1] =	stream.indirect_vreg.gather [hbm:s2], $0x80, v0, vm0, $0x38;
	[tilespmem:$0x8100] =	vst v63  }
0x22: {  	s14 =	simm.s32 $0x4500;
	s31 =	simm.s32 $0x10  }
0x23: {  	[tilespmem:s14], [sflag:$0x1] =	stream.indirect_vreg.gather [hbm:s2], $0x80, v0, vm1, $0x38;
	[tilespmem:$0x8100] =	vst v63  }
0x24: {  	s14 =	simm.s32 $0x80;
	v0 =	vld.msk [tilespmem:s31+$0x80 ss:$0x1], $0xffff  }
.LBB2_5:
0x25: {  	p0 =	sne.s32 s14, $0x1C0;
	_ =	sdelay $0x4  }
0x26: {  	vm2 =	vgt.s32 v0, $0x0  }
0x27: {  	v0 =	vnsel vm2, $0x0, v0  }
0x28: {  	v0 =	vmin.u32 v0, $0xFFF  }
0x29: {  	v0 =	vshll.u32 v0, $0x4;
	_ =	sdelay $0x3  }
.Ltmp4:
0x2a: {  	s13 =	sadd.s32 $0x800, s13;
	(pc) =	sbr.rel @p0 .LBB2_5-.Ltmp4, $4  }
0x2b: {  	[tilespmem:s13], [sflag:$0x1] =	stream.indirect_vreg.gather [hbm:s2], $0x80, v0, vm0, $0x38;
	[tilespmem:$0x8100] =	vst v63  }
0x2c: {  	s15 =	sshra.s32 s14, $0x2;
	s16 =	sadd.s32 $0x400, s13  }
0x2d: {  	[tilespmem:s16], [sflag:$0x1] =	stream.indirect_vreg.gather [hbm:s2], $0x80, v0, vm1, $0x38;
	[tilespmem:$0x8100] =	vst v63  }
0x2e: {  	s14 =	sadd.s32 $0x40, s14;
	v0 =	vld.msk [tilespmem:s15+$0x80 ss:$0x1], $0xffff  }
0x2f: {  	_ =	sdelay $0x3  }
0x30: {  	vm2 =	vgt.s32 v0, $0x0  }
0x31: {  	v0 =	vnsel vm2, $0x0, v0  }
0x32: {  	v0 =	vmin.u32 v0, $0xFFF  }
0x33: {  	v0 =	vshll.u32 v0, $0x4;
	_ =	sdelay $0x3  }
0x34: {  	s13 =	sadd.s32 $0x800, s13  }
0x35: {  	[tilespmem:s13], [sflag:$0x1] =	stream.indirect_vreg.gather [hbm:s2], $0x80, v0, vm0, $0x38;
	[tilespmem:$0x8100] =	vst v63  }
0x36: {  	s13 =	sadd.s32 $0x400, s13  }
0x37: {  	[tilespmem:s13], [sflag:$0x1] =	stream.indirect_vreg.gather [hbm:s2], $0x80, v0, vm1, $0x38;
	[tilespmem:$0x8100] =	vst v63  }
0x38: {  	s12 =	sshll.u32 s12, $0x4;
	s14 =	simm.s32 $0x80;
	_ =	swait.ge [sflag:s4], $0x4000  }
0x39: {  	s15 =	simm.s32 $0x4500;
	s12 =	sadd.s32 s12, s7;
	[sflag:s4] =	ssyncset.done $0x0  }
0x3a: {  	s16 =	sadd.s32 $0x0, s12;
	s13 =	simm.s32 $0x4100;
	[sflag:s4] =	ssyncadd.s32 $0xFFFFC000  }
.LBB2_7:
0x3b: {  	[hbm:s16] =	stream.linear.scatter [tilespmem:s13], [sflag:$0x3], $0x400, $0x38;
	[tilespmem:$0x8100] =	vst v63  }
0x3c: {  	s16 =	smov.u32 s14;
	s13 =	smov.u32 s15;
	p0 =	sne.s32 s14, $0x780  }
.Ltmp5:
0x3d: {  	s14 =	sadd.s32 $0x80, s14;
	(pc) =	sbr.rel @p0 .LBB2_7-.Ltmp5, $2  }
0x3e: {  	_ =	sdelay $0x2  }
0x3f: {  	s15 =	sadd.s32 $0x400, s15;
	s16 =	sadd.s32 s16, s12  }
.Ltmp6:
0x40: {  	(pc) =	sbr.rel .LBB2_9-.Ltmp6, $2  }
0x41: {  	_ =	sdelay $0x2  }
0x42: {  	[hbm:s16] =	stream.linear.scatter [tilespmem:s13], [sflag:$0x3], $0x400, $0x38;
	[tilespmem:$0x8100] =	vst v63  }
.LBB2_2:
.Ltmp7:
0x43: {  	(pc) =	sbr.rel .LBB2_10-.Ltmp7, $4  }
0x44: {  	_ = 	snop  }
0x45: {  	s12 =	sshrl.u32 s11, $0x3  }
0x46: {  	s13 =	sand.u32 $0x7, s11;
	s12 =	sadd.s32 s3, s12  }
0x47: {  	[tilespmem:s9], [sflag:$0x2] =	stream.linear.gather [hbm4b:s12+s13], $0x80, $0x38;
	[tilespmem:$0x8100] =	vst v63  }
.LBB2_11:
0x48: {  	s2 =	simm.s32 $0x3  }
0x49: {  	_ =	swait.ge [sflag:s2], $0x4000  }
0x4a: {  	[sflag:s2] =	ssyncset.done $0x0  }
0x4b: {  	[sflag:s2] =	ssyncadd.s32 $0xFFFFC000  }
0x4c: {  	_ =	sfence.sel $0x180000  }
0x4d: {  	s3 =	simm.s32 $0x2;
	[bflag:$0x0] =	sbarrier.arrive $0xFFFF  }
0x4e: {  	[sflag:s3] =	ssyncpa.u1 $0x1  }
0x4f: {  	s31 =	simm.s32 $0x1;
	[sflag:s2] =	ssyncpa.u1 $0x1  }
0x50: {  	[sflag:s31] =	ssyncpa.u1 $0x1  }
0x51: {  	p0 =	sne.s32 s1, $0x0;
	_ =	strace $0x9000004A  }
0x52: {  	s0 =	sadd.s32 @!p0 $0x100000, s0;
	[bflag:$0x2] =	sbarrier.arrive $0xFFFF  }
0x53: {  	[sflag:s0] =	ssyncadd.tile.s32 @!p0 $0x1;
	_ =	shalt  }
.Lfunc_end2:
_tile_overlayer_lowered:
.L_overlay_start_2:
0x54: {  	(tag) =	ssettag $0x2  }
0x55: {  	s0 =	rddreg [dreg:$0x0];
	s2 =	stileid.u32  }
0x56: {  	s1 =	rddreg [dreg:$0x1];
	p0 =	sne.s32 s2, $0x0  }
0x57: {  	s3 =	rddreg [dreg:$0x2];
	[bflag:$0x3] =	sbarrier.arrive $0xFFFF;
	s2 =	simm.s32 @!p0 $0x1C01  }
0x58: {  	[timem:s3], [sflag:s2] =	dma.local @!p0 [hbm:s0], s1  }
0x59: {  	s0 =	simm.s32 @!p0 $0x1  }
0x5a: {  	_ =	swait.ge @!p0 [sflag:s0], s1  }
0x5b: {  	s1 =	ssub.s32 @!p0 $0x0, s1;
	[sflag:s0] =	ssyncset.done @!p0 $0x0  }
0x5c: {  	[sflag:s0] =	ssyncadd.s32 @!p0 s1  }
0x5d: {  	[bflag:$0x3] =	sbarrier.arrive $0xFFFF  }
0x5e: {  	_ =	shalt  }

// kernel: gather_offload_async_start.2
scs
__scs_entry_jumppad:
0x0: {  	(pc) =	sbr.rel $0x88, $3  }
0x1: {  	(tag) =	ssettag $0x0;
	lr =	simm.s32 $0x1  }
0x2: {  	[smem:$0x3F8F] =	sst lr;
	_ =	strace $0xD0000000  }
0x3: {  	_ = 	snop  }
0x4: {  	_ = 	snop  }
0x5: {  	_ = 	snop  }
0x6: {  	_ = 	snop  }
0x7: {  	_ = 	snop  }
__scs_overlays_trampoline_lowered:
0x8: {  	[smem:$0x3F9E] =	sst s0  }
0x9: {  	[smem:$0x3F9F] =	sst s1  }
0xa: {  	[smem:$0x3FA0] =	sst s2  }
0xb: {  	[smem:$0x3FA1] =	sst s3  }
0xc: {  	[smem:$0x3FA2] =	sst s4  }
0xd: {  	[smem:$0x3FA3] =	sst s5  }
0xe: {  	[smem:$0x3FA4] =	sst s6  }
0xf: {  	[smem:$0x3FA5] =	sst s7  }
0x10: {  	[smem:$0x3FA6] =	sst s8  }
0x11: {  	[smem:$0x3FA7] =	sst s9;
	s0 =	simm.s32 @!p0 $0x0  }
0x12: {  	s1 =	sld [smem:$0x3F8D];
	s0 =	simm.s32 @p0 $0x1  }
0x13: {  	[smem:$0x3FA8] =	sst s0;
	s0 =	simm.s32 @!p1 $0x0  }
0x14: {  	s2 =	sld [smem:$0x3F8C];
	s0 =	simm.s32 @p1 $0x1  }
0x15: {  	[smem:$0x3FA9] =	sst s0;
	s0 =	simm.s32 @!p2 $0x0  }
0x16: {  	s3 =	sld [smem:$0x3FDB];
	s0 =	simm.s32 @p2 $0x1  }
0x17: {  	s4 =	simm.s32 $0x1BF5;
	[smem:$0x3FAB] =	sst s0  }
0x18: {  	s0 =	sld [smem:$0x3F8E];
	_ =	swait.ge [sflag:s4], $0x0  }
0x19: {  	s7 =	sld [smem:$0x3F8F]  }
0x1a: {  	s8 =	sadd.s32 $0xFFFFE003, lr  }
0x1b: {  	s9 =	sadd.s32 $0xFFFFFEF7, lr;
	s5 =	simm.s32 $0xFFFFFFFF;
	p2 =	slt.u32 s8, $0xFFFFF086  }
0x1c: {  	p1 =	slt.u32 s9, $0xF7A;
	s5 =	simm.s32 @!p2 $0x0  }
0x1d: {  	s5 =	simm.s32 @p1 $0x1;
	p0 =	seq.s32 s7, s2  }
0x1e: {  	s7 =	smul.u32 @!p0 $0xF7A, s2;
	p2 =	seq.s32 @!p0 s5, $0x0  }
0x1f: {  	s9 =	smul.u32 $0xF7A, s1;
	s8 =	simm.s32 @!p0 $0x1BF5;
	p2 =	por !p2, p0  }
0x20: {  	[sflag:s8] =	ssyncset.s32 @!p0 $0xFFFFF086;
	s6 =	sadd.s32 @!p0 s3, s7;
	s7 =	simm.s32 @!p0 $0x108  }
0x21: {  	s3 =	sadd.s32 s3, s9;
	s6 =	sadd.s32 @!p0 $0x88, s6;
	s7 =	simm.s32 @p2 $0x1082  }
0x22: {  	[simem:s7], [sflag:s8] =	dma.local @!p0 [hbm:s6], $0xF7A  }
0x23: {  	s9 =	sor.u32 $0xD0000000, s2;
	s6 =	simm.s32 $0x108;
	_ =	swait.ge @!p0 [sflag:s8], $0x0  }
0x24: {  	s3 =	sadd.s32 $0x88, s3;
	s6 =	simm.s32 @!p1 $0x1082;
	[sflag:s4] =	ssyncset.s32 $0xFFFFF086  }
0x25: {  	[simem:s6], [sflag:s4] =	dma.local [hbm:s3], $0xF7A  }
0x26: {  	[smem:$0x3F8F] =	sst s1;
	(tag) =	ssettag s2;
	_ =	strace s9  }
0x27: {  	s1 =	sld [smem:$0x3F9F]  }
0x28: {  	s2 =	sld [smem:$0x3FA0]  }
0x29: {  	s4 =	sld [smem:$0x3FA2]  }
0x2a: {  	p0 =	seq.s32 s5, $0x0;
	s5 =	sld [smem:$0x3FA3]  }
0x2b: {  	s6 =	sld [smem:$0x3FA4]  }
0x2c: {  	s7 =	sld [smem:$0x3FA5]  }
0x2d: {  	s3 =	simm.s32 $0x108;
	s8 =	sld [smem:$0x3FA6]  }
0x2e: {  	s3 =	simm.s32 @!p0 $0x1082;
	s9 =	sld [smem:$0x3FA7]  }
0x2f: {  	lr =	sadd.s32 s0, s3;
	s0 =	sld [smem:$0x3F9E]  }
0x30: {  	s3 =	sld [smem:$0x3FA1]  }
0x31: {  	[smem:$0x3FAA] =	sst s10  }
0x32: {  	s10 =	sld [smem:$0x3FA8];
	_ =	sdelay $0x3  }
0x33: {  	p0 =	seq.s32 s10, $0x1;
	s10 =	sld [smem:$0x3FAA];
	_ =	sdelay $0x3  }
0x34: {  	[smem:$0x3FAA] =	sst s10  }
0x35: {  	s10 =	sld [smem:$0x3FA9];
	_ =	sdelay $0x3  }
0x36: {  	p1 =	seq.s32 s10, $0x1;
	s10 =	sld [smem:$0x3FAA];
	_ =	sdelay $0x3  }
0x37: {  	[smem:$0x3FAA] =	sst s10  }
0x38: {  	s10 =	sld [smem:$0x3FAB]  }
0x39: {  	_ = 	snop;
	(pc) =	sbr.ind lr, $3  }
0x3a: {  	_ = 	snop  }
0x3b: {  	_ = 	snop  }
0x3c: {  	p2 =	seq.s32 s10, $0x1;
	s10 =	sld [smem:$0x3FAA]  }
0x3d: {  	_ =	shalt  }
0x3e: {  	_ =	shalt  }
0x3f: {  	_ =	shalt  }
0x40: {  	_ =	shalt  }
0x41: {  	_ =	shalt  }
0x42: {  	_ =	shalt  }
0x43: {  	_ =	shalt  }
0x44: {  	_ =	shalt  }
0x45: {  	_ =	shalt  }
0x46: {  	_ =	shalt  }
0x47: {  	_ =	shalt  }
0x48: {  	_ =	shalt  }
0x49: {  	_ =	shalt  }
0x4a: {  	_ =	shalt  }
0x4b: {  	_ =	shalt  }
0x4c: {  	_ =	shalt  }
0x4d: {  	_ =	shalt  }
0x4e: {  	_ =	shalt  }
0x4f: {  	_ =	shalt  }
0x50: {  	_ =	shalt  }
0x51: {  	_ =	shalt  }
0x52: {  	_ =	shalt  }
0x53: {  	_ =	shalt  }
0x54: {  	_ =	shalt  }
0x55: {  	_ =	shalt  }
0x56: {  	_ =	shalt  }
0x57: {  	_ =	shalt  }
0x58: {  	_ =	shalt  }
0x59: {  	_ =	shalt  }
0x5a: {  	_ =	shalt  }
0x5b: {  	_ =	shalt  }
0x5c: {  	_ =	shalt  }
0x5d: {  	_ =	shalt  }
0x5e: {  	_ =	shalt  }
0x5f: {  	_ =	shalt  }
0x60: {  	_ =	shalt  }
0x61: {  	_ =	shalt  }
0x62: {  	_ =	shalt  }
0x63: {  	_ =	shalt  }
0x64: {  	_ =	shalt  }
0x65: {  	_ =	shalt  }
0x66: {  	_ =	shalt  }
0x67: {  	_ =	shalt  }
0x68: {  	_ =	shalt  }
0x69: {  	_ =	shalt  }
0x6a: {  	_ =	shalt  }
0x6b: {  	_ =	shalt  }
0x6c: {  	_ =	shalt  }
0x6d: {  	_ =	shalt  }
0x6e: {  	_ =	shalt  }
0x6f: {  	_ =	shalt  }
0x70: {  	_ =	shalt  }
0x71: {  	_ =	shalt  }
0x72: {  	_ =	shalt  }
0x73: {  	_ =	shalt  }
0x74: {  	_ =	shalt  }
0x75: {  	_ =	shalt  }
0x76: {  	_ =	shalt  }
0x77: {  	_ =	shalt  }
0x78: {  	_ =	shalt  }
0x79: {  	_ =	shalt  }
0x7a: {  	_ =	shalt  }
0x7b: {  	_ =	shalt  }
0x7c: {  	_ =	shalt  }
0x7d: {  	_ =	shalt  }
0x7e: {  	_ =	shalt  }
0x7f: {  	_ =	shalt  }
0x80: {  	_ =	shalt  }
0x81: {  	_ =	shalt  }
0x82: {  	_ =	shalt  }
0x83: {  	_ =	shalt  }
0x84: {  	_ =	shalt  }
0x85: {  	_ =	shalt  }
0x86: {  	_ =	shalt  }
0x87: {  	_ =	shalt  }
.Lfunc_end0:
.L_simem_size_0:
called_computation.2_lowered:
.L_overlay_start_0:
0x88: {  	s2 =	sld [smem:$0x3FD9]  }
0x89: {  	s3 =	sld [smem:$0x3FFE];
	_ =	sdelay $0x1  }
0x8a: {  	s1 =	srdreg.scid  }
0x8b: {  	s0 =	sand.u32 $0x1, s1  }
0x8c: {  	s17 =	sshll.u32 s0, $0xA;
	s2 =	sadd.s32 s3, s2  }
0x8d: {  	s2 =	sadd.s32 s2, s17  }
0x8e: {  	[smem:$0x3FB6] =	sst s2  }
0x8f: {  	_ = 	snop  }
0x90: {  	s18 =	sld [smem:$0x3FC7];
	(tm) =	ssettm $0x1  }
0x91: {  	s19 =	sld [smem:$0x3FFB];
	_ =	sdelay $0x3  }
0x92: {  	_ =	strace s19  }
0x93: {  	s2 =	sld [smem:$0x3FFC];
	_ =	sdelay $0x3  }
0x94: {  	_ =	strace s2  }
0x95: {  	s2 =	sld [smem:$0x3FFD];
	_ =	sdelay $0x3  }
0x96: {  	_ =	strace s2  }
0x97: {  	_ =	strace $0x8FFFFFFF  }
0x98: {  	s20 =	sld [smem:$0x3FDB];
	_ =	sdelay $0x1  }
0x99: {  	s4 =	simm.s32 $_scs_section_size  }
0x9a: {  	s5 =	simm.s32 $_size__tile_overlayer_lowered;
	s6 =	simm.s32 $_tile_overlayer_lowered  }
0x9b: {  	s7 =	simm.s32 $0x1BFF;
	s21 =	sshll.u32 s6, $0x1;
	s4 =	sadd.s32 s4, s20  }
0x9c: {  	s22 =	simm.s32 $0x0;
	s5 =	sshll.u32 s5, $0x1;
	s6 =	sadd.s32 s21, s4  }
0x9d: {  	[timem:s22], [sflag:s7] =	dma.local [hbm:s6], s5  }
0x9e: {  	_ =	swait.ge [sflag:s7], s5  }
0x9f: {  	s5 =	ssub.s32 $0x0, s5;
	[sflag:s7] =	ssyncset.done $0x0  }
0xa0: {  	[sflag:s7] =	ssyncadd.s32 s5;
	_ =	sdelay $0x1  }
0xa1: {  	s23 =	simm.s32 $0x1B8B  }
0xa2: {  	_ =	swait.ge [sflag:s23], $0x1  }
0xa3: {  	[sflag:s23] =	ssyncset.done $0x0  }
0xa4: {  	[sflag:s23] =	ssyncadd.s32 $0xFFFFFFFF  }
0xa5: {  	s5 =	sld [smem:$0x0]  }
0xa6: {  	s6 =	sand.u32 $0xFFFFFFFE, s1  }
0xa7: {  	p0 =	sne.s32 s1, s6  }
0xa8: {  	s6 =	sshll.u32 @p0 s6, $0xE  }
0xa9: {  	s6 =	sadd.s32 @p0 $0x11B8D, s6;
	s7 =	sshll.u32 @p0 s5, $0x11  }
0xaa: {  	s6 =	sor.u32 @p0 s7, s6  }
0xab: {  	[sflag:s6] =	ssyncadd.remote.s32 @p0 $0x1;
	_ =	sdelay $0x1  }
0xac: {  	s6 =	simm.s32 @p0 $0x1B8D  }
0xad: {  	_ =	swait.eq @p0 [sflag:s6], $0x1  }
0xae: {  	[sflag:s6] =	ssyncadd.s32 @p0 $0xFFFFFFFF  }
0xaf: {  	s7 =	sshll.u32 @!p0 s1, $0xE  }
0xb0: {  	s7 =	sor.u32 @!p0 $0x4000, s7;
	s6 =	simm.s32 @!p0 $0x1B8D  }
0xb1: {  	s5 =	sshll.u32 @!p0 s5, $0x11;
	s7 =	sadd.s32 @!p0 $0x11B8D, s7;
	_ =	swait.eq @!p0 [sflag:s6], $0x1  }
0xb2: {  	s5 =	sor.u32 @!p0 s5, s7;
	[sflag:s6] =	ssyncadd.s32 @!p0 $0xFFFFFFFF  }
0xb3: {  	s25 =	simm.s32 $0x1B8E;
	s24 =	sld [smem:$0x3FFE];
	[sflag:s5] =	ssyncadd.remote.s32 @!p0 $0x1  }
0xb4: {  	s26 =	simm.s32 $execute0_lowered;
	[smem:$0x3FD2] =	sst s25  }
0xb5: {  	s6 =	sshll.u32 s26, $0x1;
	_ =	strace $0x8000004C;
	[dreg:$0x1] =	wrdreg $0xFFFFFFFF  }
0xb6: {  	s28 =	simm.s32 $_size_execute0_lowered;
	s4 =	sadd.s32 s4, s6;
	[dreg:$0x0] =	wrdreg $0x0  }
0xb7: {  	s6 =	sshll.u32 s28, $0x1;
	[dreg:$0x2] =	wrdreg s4  }
0xb8: {  	[dreg:$0x3] =	wrdreg s6  }
0xb9: {  	[dreg:$0x4] =	wrdreg $0xC0  }
0xba: {  	_ =	task [dreg:s22], $0x5FFFF  }
0xbb: {  	[dreg:$0x1] =	wrdreg $0xFFFFFFFF  }
0xbc: {  	[dreg:$0x0] =	wrdreg $0x60  }
0xbd: {  	[dreg:$0x2] =	wrdreg s18  }
0xbe: {  	[dreg:$0x3] =	wrdreg s24  }
0xbf: {  	[dreg:$0x4] =	wrdreg $0xB  }
0xc0: {  	_ =	task.clear_ibuf [dreg:s22], $0x5FFFF;
	_ =	strace $0x9000004C  }
0xc1: {  	s29 =	simm.s32 $0xB;
	_ =	strace $0x8000004E  }
0xc2: {  	_ =	swait.ge [sflag:s29], $0x1  }
0xc3: {  	[sflag:s29] =	ssyncadd.s32 $0xFFFFFFFF  }
0xc4: {  	_ =	strace $0x9000004E  }
0xc5: {  	_ =	sfence  }
0xc6: {  	s30 =	sld [smem:$0x0];
	_ =	sdelay $0x2  }
0xc7: {  	s31 =	sshll.u32 s1, $0xD;
	s1 =	sshrl.u32 s1, $0x2  }
0xc8: {  	s4 =	sand.u32 $0x4000, s31;
	s1 =	sadd.s32 s1, s30  }
0xc9: {  	s0 =	sor.u32 s4, s0;
	s1 =	sshll.u32 s1, $0x11  }
0xca: {  	s0 =	sor.u32 s1, s0  }
0xcb: {  	s0 =	sadd.s32 $0x8F2B, s0  }
0xcc: {  	[sflag:s0] =	ssyncadd.remote.s32 $0x1  }
0xcd: {  	_ =	sfence.sel $0xFFFF  }
0xce: {  	[dreg:$0x0] =	wrdreg $0xFFFFFFFF;
	(pc) =	sbr.abs _section_cstart, $3  }
0xcf: {  	[dreg:$0x1] =	wrdreg $0xFFFFFFFF  }
0xd0: {  	_ =	task.clear_ibuf [dreg:s22], $0x2FFFF;
	_ =	strace $0x9FFFFFFF  }
0xd1: {  	(tm) =	ssettm $0x7FFFFFFF  }
tec
execute0_lowered:
.L_overlay_start_1:
0x0: {  	(tag) =	ssettag $0x1  }
0x1: {  	s2 =	rddreg [dreg:$0x0]  }
0x2: {  	s3 =	rddreg [dreg:$0x1]  }
0x3: {  	s0 =	rddreg [dreg:$0x2];
	s1 =	srdreg.scid;
	_ =	strace $0x8000004D  }
0x4: {  	s4 =	simm.s32 $0x1;
	s9 =	simm.s32 $0x3;
	s5 =	sshll.u32 s1, $0x4  }
.Ltmp0:
0x5: {  	s1 =	stileid.u32;
	s5 =	sand.u32 $0x10, s5;
	(pc) =	sbr.rel .LBB2_1-.Ltmp0, $4  }
0x6: {  	s12 =	simm.s32 $0x0;
	s10 =	simm.s32 $0x0;
	s6 =	sor.u32 s1, s5  }
0x7: {  	[sflag:s4] =	ssyncpa.u1 $0x0;
	s5 =	simm.s32 $0x2;
	s6 =	sshll.u32 s6, $0x7  }
0x8: {  	s7 =	sadd.s32 $0x20800, s3;
	[sflag:s5] =	ssyncpa.u1 $0x0;
	s8 =	sadd.s32 $0x80, s6  }
0x9: {  	vm0 =	vmmov $0xff;
	vm1 =	vcmask $0x3F20;
	[sflag:s9] =	ssyncpa.u1 $0x0;
	s9 =	simm.s32 $0x80;
	s11 =	smov.u32 s6  }
.LBB2_10:
0xa: {  	[hbm:s16] =	stream.linear.scatter [tilespmem:s13], [sflag:$0x3], $0x800, $0x38;
	[tilespmem:$0x10100] =	vst v63  }
.LBB2_11:
0xb: {  	p0 =	seq.s32 s10, $0x2  }
.Ltmp1:
0xc: {  	_ = 	snop;
	(pc) =	sbr.rel @p0 .LBB2_13-.Ltmp1, $1  }
0xd: {  	_ =	sdelay $0x3  }
.LBB2_12:
0xe: {  	s12 =	sadd.s32 $0x80, s11  }
0xf: {  	s13 =	smov.u32 s6;
	p0 =	slt.s32 s12, s8  }
0x10: {  	s13 =	smov.u32 @p0 s12  }
0x11: {  	s10 =	sadd.s32 $0x1, s10;
	s12 =	smov.u32 s11;
	s11 =	smov.u32 s13  }
.LBB2_1:
0x12: {  	p0 =	sne.s32 s10, $0x0  }
.Ltmp2:
0x13: {  	_ = 	snop;
	(pc) =	sbr.rel @!p0 .LBB2_2-.Ltmp2, $1  }
0x14: {  	_ =	sdelay $0x3  }
0x15: {  	s13 =	sand.u32 $0x1, s10  }
0x16: {  	p0 =	seq.s32 s13, $0x0  }
.Ltmp3:
0x17: {  	_ = 	snop;
	(pc) =	sbr.rel @p0 .LBB2_11-.Ltmp3, $1  }
0x18: {  	_ =	sdelay $0x3  }
0x19: {  	_ =	swait.ge [sflag:s5], $0x80  }
0x1a: {  	[sflag:s5] =	ssyncset.done $0x0  }
0x1b: {  	s13 =	simm.s32 $0x0;
	[sflag:s5] =	ssyncadd.s32 $0xFFFFFF80  }
.LBB2_5:
0x1c: {  	s14 =	sshll.u32 s13, $0x4  }
0x1d: {  	s14 =	sand.u32 $0x3FFFFFF0, s14  }
0x1e: {  	v0 =	vld.msk [tilespmem:s14+$0x80 ss:$0x1], $0xffff;
	_ =	sdelay $0x4  }
0x1f: {  	vm2 =	vgt.s32 v0, $0x0  }
0x20: {  	v0 =	vnsel vm2, $0x0, v0  }
0x21: {  	v0 =	vmin.u32 v0, $0xFFF  }
0x22: {  	s31 =	sshll.u32 s13, $0xC;
	v1 =	vshll.u32 v0, $0x5;
	v0 =	vshll.u32 v0, $0x4  }
0x23: {  	s14 =	sand.u32 $0x3FFFF000, s31;
	v1 =	vand.u32 $0x1FF00, v1;
	v0 =	vand.u32 $0x70, v0  }
0x24: {  	p0 =	por $0x1, $0x1;
	s15 =	simm.s32 $0x0;
	s14 =	sadd.s32 $0x8100, s14;
	v0 =	vor.u32 v0, v1  }
.LBB2_6:
0x25: {  	_ =	sdelay $0x1  }
0x26: {  	s15 =	sshra.s32 s15, $0x2;
	p1 =	por p0, p0  }
.Ltmp4:
0x27: {  	s15 =	sadd.s32 s15, s14;
	(pc) =	sbr.rel @p1 .LBB2_6-.Ltmp4, $4  }
0x28: {  	[tilespmem:s15], [sflag:$0x1] =	stream.indirect_vreg.gather [hbm:s2], $0x80, v0, vm0, $0x38;
	[tilespmem:$0x10100] =	vst v63  }
0x29: {  	s15 =	sadd.s32 $0x800, s15  }
0x2a: {  	[tilespmem:s15], [sflag:$0x1] =	stream.indirect_vreg.gather [hbm:s2], $0x80, v0, vm1, $0x38;
	[tilespmem:$0x10100] =	vst v63  }
0x2b: {  	p0 =	por $0x0, $0x0;
	v0 =	vadd.s32 $0x80, v0;
	s15 =	simm.s32 $0x1000  }
0x2c: {  	s13 =	sadd.s32 $0x1, s13  }
0x2d: {  	p0 =	sne.s32 s13, $0x8  }
.Ltmp5:
0x2e: {  	_ = 	snop;
	(pc) =	sbr.rel @p0 .LBB2_5-.Ltmp5, $1  }
0x2f: {  	_ =	sdelay $0x3  }
0x30: {  	s13 =	sshll.u32 s12, $0x5  }
0x31: {  	_ =	swait.ge [sflag:s4], $0x8000;
	s31 =	sshll.u32 s12, $0x4;
	s13 =	sand.u32 $0xFFFFFF00, s13  }
0x32: {  	s14 =	simm.s32 $0x100;
	s12 =	sand.u32 $0x70, s31;
	s13 =	sadd.s32 s13, s7  }
0x33: {  	s15 =	simm.s32 $0x8900;
	[sflag:s4] =	ssyncset.done $0x0;
	s12 =	sadd.s32 s12, s13  }
0x34: {  	[sflag:s4] =	ssyncadd.s32 $0xFFFF8000;
	s13 =	simm.s32 $0x8100;
	s16 =	sadd.s32 $0x0, s12  }
.LBB2_9:
0x35: {  	[hbm:s16] =	stream.linear.scatter [tilespmem:s13], [sflag:$0x3], $0x800, $0x38;
	[tilespmem:$0x10100] =	vst v63  }
0x36: {  	s16 =	smov.u32 s14;
	s13 =	smov.u32 s15;
	p0 =	sne.s32 s14, $0xF00  }
.Ltmp6:
0x37: {  	s14 =	sadd.s32 $0x100, s14;
	(pc) =	sbr.rel @p0 .LBB2_9-.Ltmp6, $2  }
0x38: {  	_ =	sdelay $0x2  }
0x39: {  	s15 =	sadd.s32 $0x800, s15;
	s16 =	sadd.s32 s16, s12  }
.Ltmp7:
0x3a: {  	_ = 	snop;
	(pc) =	sbr.rel .LBB2_10-.Ltmp7, $1  }
0x3b: {  	_ =	sdelay $0x3  }
.LBB2_2:
.Ltmp8:
0x3c: {  	(pc) =	sbr.rel .LBB2_12-.Ltmp8, $4  }
0x3d: {  	_ = 	snop  }
0x3e: {  	s12 =	sshrl.u32 s11, $0x3  }
0x3f: {  	s13 =	sand.u32 $0x7, s11;
	s12 =	sadd.s32 s3, s12  }
0x40: {  	[tilespmem:s9], [sflag:$0x2] =	stream.linear.gather [hbm4b:s12+s13], $0x80, $0x38;
	[tilespmem:$0x10100] =	vst v63  }
.LBB2_13:
0x41: {  	s2 =	simm.s32 $0x3  }
0x42: {  	_ =	swait.ge [sflag:s2], $0x8000  }
0x43: {  	[sflag:s2] =	ssyncset.done $0x0  }
0x44: {  	[sflag:s2] =	ssyncadd.s32 $0xFFFF8000  }
0x45: {  	_ =	sfence.sel $0x180000  }
0x46: {  	s3 =	simm.s32 $0x2;
	[bflag:$0x0] =	sbarrier.arrive $0xFFFF  }
0x47: {  	[sflag:s3] =	ssyncpa.u1 $0x1  }
0x48: {  	s31 =	simm.s32 $0x1;
	[sflag:s2] =	ssyncpa.u1 $0x1  }
0x49: {  	[sflag:s31] =	ssyncpa.u1 $0x1  }
0x4a: {  	p0 =	sne.s32 s1, $0x0;
	_ =	strace $0x9000004D  }
0x4b: {  	s0 =	sadd.s32 @!p0 $0x100000, s0;
	[bflag:$0x2] =	sbarrier.arrive $0xFFFF  }
0x4c: {  	[sflag:s0] =	ssyncadd.tile.s32 @!p0 $0x1;
	_ =	shalt  }
.Lfunc_end2:
_tile_overlayer_lowered:
.L_overlay_start_2:
0x4d: {  	(tag) =	ssettag $0x2  }
0x4e: {  	s0 =	rddreg [dreg:$0x0];
	s2 =	stileid.u32  }
0x4f: {  	s1 =	rddreg [dreg:$0x1];
	p0 =	sne.s32 s2, $0x0  }
0x50: {  	s3 =	rddreg [dreg:$0x2];
	[bflag:$0x3] =	sbarrier.arrive $0xFFFF;
	s2 =	simm.s32 @!p0 $0x1C01  }
0x51: {  	[timem:s3], [sflag:s2] =	dma.local @!p0 [hbm:s0], s1  }
0x52: {  	s0 =	simm.s32 @!p0 $0x1  }
0x53: {  	_ =	swait.ge @!p0 [sflag:s0], s1  }
0x54: {  	s1 =	ssub.s32 @!p0 $0x0, s1;
	[sflag:s0] =	ssyncset.done @!p0 $0x0  }
0x55: {  	[sflag:s0] =	ssyncadd.s32 @!p0 s1  }
0x56: {  	[bflag:$0x3] =	sbarrier.arrive $0xFFFF  }
0x57: {  	_ =	shalt  }

// kernel: gather_offload_async_start.3
scs
__scs_entry_jumppad:
0x0: {  	(pc) =	sbr.rel $0x88, $3  }
0x1: {  	(tag) =	ssettag $0x0;
	lr =	simm.s32 $0x1  }
0x2: {  	[smem:$0x3F8F] =	sst lr;
	_ =	strace $0xD0000000  }
0x3: {  	_ = 	snop  }
0x4: {  	_ = 	snop  }
0x5: {  	_ = 	snop  }
0x6: {  	_ = 	snop  }
0x7: {  	_ = 	snop  }
__scs_overlays_trampoline_lowered:
0x8: {  	[smem:$0x3F9E] =	sst s0  }
0x9: {  	[smem:$0x3F9F] =	sst s1  }
0xa: {  	[smem:$0x3FA0] =	sst s2  }
0xb: {  	[smem:$0x3FA1] =	sst s3  }
0xc: {  	[smem:$0x3FA2] =	sst s4  }
0xd: {  	[smem:$0x3FA3] =	sst s5  }
0xe: {  	[smem:$0x3FA4] =	sst s6  }
0xf: {  	[smem:$0x3FA5] =	sst s7  }
0x10: {  	[smem:$0x3FA6] =	sst s8  }
0x11: {  	[smem:$0x3FA7] =	sst s9;
	s0 =	simm.s32 @!p0 $0x0  }
0x12: {  	s1 =	sld [smem:$0x3F8D];
	s0 =	simm.s32 @p0 $0x1  }
0x13: {  	[smem:$0x3FA8] =	sst s0;
	s0 =	simm.s32 @!p1 $0x0  }
0x14: {  	s2 =	sld [smem:$0x3F8C];
	s0 =	simm.s32 @p1 $0x1  }
0x15: {  	[smem:$0x3FA9] =	sst s0;
	s0 =	simm.s32 @!p2 $0x0  }
0x16: {  	s3 =	sld [smem:$0x3FDB];
	s0 =	simm.s32 @p2 $0x1  }
0x17: {  	s4 =	simm.s32 $0x1BF5;
	[smem:$0x3FAB] =	sst s0  }
0x18: {  	s0 =	sld [smem:$0x3F8E];
	_ =	swait.ge [sflag:s4], $0x0  }
0x19: {  	s7 =	sld [smem:$0x3F8F]  }
0x1a: {  	s8 =	sadd.s32 $0xFFFFE003, lr  }
0x1b: {  	s9 =	sadd.s32 $0xFFFFFEF7, lr;
	s5 =	simm.s32 $0xFFFFFFFF;
	p2 =	slt.u32 s8, $0xFFFFF086  }
0x1c: {  	p1 =	slt.u32 s9, $0xF7A;
	s5 =	simm.s32 @!p2 $0x0  }
0x1d: {  	s5 =	simm.s32 @p1 $0x1;
	p0 =	seq.s32 s7, s2  }
0x1e: {  	s7 =	smul.u32 @!p0 $0xF7A, s2;
	p2 =	seq.s32 @!p0 s5, $0x0  }
0x1f: {  	s9 =	smul.u32 $0xF7A, s1;
	s8 =	simm.s32 @!p0 $0x1BF5;
	p2 =	por !p2, p0  }
0x20: {  	[sflag:s8] =	ssyncset.s32 @!p0 $0xFFFFF086;
	s6 =	sadd.s32 @!p0 s3, s7;
	s7 =	simm.s32 @!p0 $0x108  }
0x21: {  	s3 =	sadd.s32 s3, s9;
	s6 =	sadd.s32 @!p0 $0x88, s6;
	s7 =	simm.s32 @p2 $0x1082  }
0x22: {  	[simem:s7], [sflag:s8] =	dma.local @!p0 [hbm:s6], $0xF7A  }
0x23: {  	s9 =	sor.u32 $0xD0000000, s2;
	s6 =	simm.s32 $0x108;
	_ =	swait.ge @!p0 [sflag:s8], $0x0  }
0x24: {  	s3 =	sadd.s32 $0x88, s3;
	s6 =	simm.s32 @!p1 $0x1082;
	[sflag:s4] =	ssyncset.s32 $0xFFFFF086  }
0x25: {  	[simem:s6], [sflag:s4] =	dma.local [hbm:s3], $0xF7A  }
0x26: {  	[smem:$0x3F8F] =	sst s1;
	(tag) =	ssettag s2;
	_ =	strace s9  }
0x27: {  	s1 =	sld [smem:$0x3F9F]  }
0x28: {  	s2 =	sld [smem:$0x3FA0]  }
0x29: {  	s4 =	sld [smem:$0x3FA2]  }
0x2a: {  	p0 =	seq.s32 s5, $0x0;
	s5 =	sld [smem:$0x3FA3]  }
0x2b: {  	s6 =	sld [smem:$0x3FA4]  }
0x2c: {  	s7 =	sld [smem:$0x3FA5]  }
0x2d: {  	s3 =	simm.s32 $0x108;
	s8 =	sld [smem:$0x3FA6]  }
0x2e: {  	s3 =	simm.s32 @!p0 $0x1082;
	s9 =	sld [smem:$0x3FA7]  }
0x2f: {  	lr =	sadd.s32 s0, s3;
	s0 =	sld [smem:$0x3F9E]  }
0x30: {  	s3 =	sld [smem:$0x3FA1]  }
0x31: {  	[smem:$0x3FAA] =	sst s10  }
0x32: {  	s10 =	sld [smem:$0x3FA8];
	_ =	sdelay $0x3  }
0x33: {  	p0 =	seq.s32 s10, $0x1;
	s10 =	sld [smem:$0x3FAA];
	_ =	sdelay $0x3  }
0x34: {  	[smem:$0x3FAA] =	sst s10  }
0x35: {  	s10 =	sld [smem:$0x3FA9];
	_ =	sdelay $0x3  }
0x36: {  	p1 =	seq.s32 s10, $0x1;
	s10 =	sld [smem:$0x3FAA];
	_ =	sdelay $0x3  }
0x37: {  	[smem:$0x3FAA] =	sst s10  }
0x38: {  	s10 =	sld [smem:$0x3FAB]  }
0x39: {  	_ = 	snop;
	(pc) =	sbr.ind lr, $3  }
0x3a: {  	_ = 	snop  }
0x3b: {  	_ = 	snop  }
0x3c: {  	p2 =	seq.s32 s10, $0x1;
	s10 =	sld [smem:$0x3FAA]  }
0x3d: {  	_ =	shalt  }
0x3e: {  	_ =	shalt  }
0x3f: {  	_ =	shalt  }
0x40: {  	_ =	shalt  }
0x41: {  	_ =	shalt  }
0x42: {  	_ =	shalt  }
0x43: {  	_ =	shalt  }
0x44: {  	_ =	shalt  }
0x45: {  	_ =	shalt  }
0x46: {  	_ =	shalt  }
0x47: {  	_ =	shalt  }
0x48: {  	_ =	shalt  }
0x49: {  	_ =	shalt  }
0x4a: {  	_ =	shalt  }
0x4b: {  	_ =	shalt  }
0x4c: {  	_ =	shalt  }
0x4d: {  	_ =	shalt  }
0x4e: {  	_ =	shalt  }
0x4f: {  	_ =	shalt  }
0x50: {  	_ =	shalt  }
0x51: {  	_ =	shalt  }
0x52: {  	_ =	shalt  }
0x53: {  	_ =	shalt  }
0x54: {  	_ =	shalt  }
0x55: {  	_ =	shalt  }
0x56: {  	_ =	shalt  }
0x57: {  	_ =	shalt  }
0x58: {  	_ =	shalt  }
0x59: {  	_ =	shalt  }
0x5a: {  	_ =	shalt  }
0x5b: {  	_ =	shalt  }
0x5c: {  	_ =	shalt  }
0x5d: {  	_ =	shalt  }
0x5e: {  	_ =	shalt  }
0x5f: {  	_ =	shalt  }
0x60: {  	_ =	shalt  }
0x61: {  	_ =	shalt  }
0x62: {  	_ =	shalt  }
0x63: {  	_ =	shalt  }
0x64: {  	_ =	shalt  }
0x65: {  	_ =	shalt  }
0x66: {  	_ =	shalt  }
0x67: {  	_ =	shalt  }
0x68: {  	_ =	shalt  }
0x69: {  	_ =	shalt  }
0x6a: {  	_ =	shalt  }
0x6b: {  	_ =	shalt  }
0x6c: {  	_ =	shalt  }
0x6d: {  	_ =	shalt  }
0x6e: {  	_ =	shalt  }
0x6f: {  	_ =	shalt  }
0x70: {  	_ =	shalt  }
0x71: {  	_ =	shalt  }
0x72: {  	_ =	shalt  }
0x73: {  	_ =	shalt  }
0x74: {  	_ =	shalt  }
0x75: {  	_ =	shalt  }
0x76: {  	_ =	shalt  }
0x77: {  	_ =	shalt  }
0x78: {  	_ =	shalt  }
0x79: {  	_ =	shalt  }
0x7a: {  	_ =	shalt  }
0x7b: {  	_ =	shalt  }
0x7c: {  	_ =	shalt  }
0x7d: {  	_ =	shalt  }
0x7e: {  	_ =	shalt  }
0x7f: {  	_ =	shalt  }
0x80: {  	_ =	shalt  }
0x81: {  	_ =	shalt  }
0x82: {  	_ =	shalt  }
0x83: {  	_ =	shalt  }
0x84: {  	_ =	shalt  }
0x85: {  	_ =	shalt  }
0x86: {  	_ =	shalt  }
0x87: {  	_ =	shalt  }
.Lfunc_end0:
.L_simem_size_0:
called_computation.3_lowered:
.L_overlay_start_0:
0x88: {  	s2 =	sld [smem:$0x3FD9]  }
0x89: {  	s3 =	sld [smem:$0x3FFE];
	_ =	sdelay $0x1  }
0x8a: {  	s1 =	srdreg.scid  }
0x8b: {  	s0 =	sand.u32 $0x1, s1  }
0x8c: {  	s17 =	sshll.u32 s0, $0xA;
	s2 =	sadd.s32 s3, s2  }
0x8d: {  	s2 =	sadd.s32 s2, s17  }
0x8e: {  	[smem:$0x3FB6] =	sst s2  }
0x8f: {  	_ = 	snop  }
0x90: {  	s2 =	sld [smem:$0x3FD0];
	(tm) =	ssettm $0x1  }
0x91: {  	s18 =	sld [smem:$0x3FFB];
	_ =	sdelay $0x3  }
0x92: {  	_ =	strace s18  }
0x93: {  	s3 =	sld [smem:$0x3FFC];
	_ =	sdelay $0x3  }
0x94: {  	_ =	strace s3  }
0x95: {  	s3 =	sld [smem:$0x3FFD];
	_ =	sdelay $0x3  }
0x96: {  	_ =	strace s3  }
0x97: {  	_ =	strace $0x8FFFFFFF  }
0x98: {  	s19 =	sld [smem:$0x3FDB];
	_ =	sdelay $0x1  }
0x99: {  	s4 =	simm.s32 $_scs_section_size  }
0x9a: {  	s5 =	simm.s32 $_size__tile_overlayer_lowered;
	s6 =	simm.s32 $_tile_overlayer_lowered  }
0x9b: {  	s22 =	simm.s32 $0x1BFF;
	s21 =	sshll.u32 s6, $0x1;
	s3 =	sadd.s32 s4, s19  }
0x9c: {  	s7 =	simm.s32 $0x0;
	s20 =	sshll.u32 s5, $0x1;
	s5 =	sadd.s32 s21, s3  }
0x9d: {  	[timem:s7], [sflag:s22] =	dma.local [hbm:s5], s20  }
0x9e: {  	_ =	swait.ge [sflag:s22], s20  }
0x9f: {  	s4 =	ssub.s32 $0x0, s20;
	[sflag:s22] =	ssyncset.done $0x0  }
0xa0: {  	[sflag:s22] =	ssyncadd.s32 s4;
	_ =	sdelay $0x1  }
0xa1: {  	s23 =	simm.s32 $0x1B8B  }
0xa2: {  	_ =	swait.ge [sflag:s23], $0x1  }
0xa3: {  	[sflag:s23] =	ssyncset.done $0x0  }
0xa4: {  	s25 =	simm.s32 $0x1B8E;
	s24 =	sld [smem:$0x3FFE];
	[sflag:s23] =	ssyncadd.s32 $0xFFFFFFFF  }
0xa5: {  	s26 =	simm.s32 $execute0_lowered;
	[smem:$0x3FD2] =	sst s25  }
0xa6: {  	s5 =	sshll.u32 s26, $0x1;
	_ =	strace $0x80000046;
	[dreg:$0x1] =	wrdreg $0xFFFFFFFF  }
0xa7: {  	s28 =	simm.s32 $_size_execute0_lowered;
	s3 =	sadd.s32 s3, s5;
	[dreg:$0x0] =	wrdreg $0x0  }
0xa8: {  	s5 =	sshll.u32 s28, $0x1;
	[dreg:$0x2] =	wrdreg s3  }
0xa9: {  	[dreg:$0x3] =	wrdreg s5  }
0xaa: {  	[dreg:$0x4] =	wrdreg $0xC0  }
0xab: {  	_ =	task [dreg:s7], $0x5FFFF  }
0xac: {  	[dreg:$0x1] =	wrdreg $0xFFFFFFFF  }
0xad: {  	[dreg:$0x0] =	wrdreg $0x60  }
0xae: {  	[dreg:$0x2] =	wrdreg s2  }
0xaf: {  	[dreg:$0x3] =	wrdreg s24  }
0xb0: {  	[dreg:$0x4] =	wrdreg $0x9  }
0xb1: {  	_ =	task.clear_ibuf [dreg:s7], $0x5FFFF;
	_ =	strace $0x90000046  }
0xb2: {  	s29 =	simm.s32 $0x9;
	_ =	strace $0x80000048  }
0xb3: {  	_ =	swait.ge [sflag:s29], $0x1  }
0xb4: {  	[sflag:s29] =	ssyncadd.s32 $0xFFFFFFFF  }
0xb5: {  	_ =	strace $0x90000048  }
0xb6: {  	_ =	sfence  }
0xb7: {  	s30 =	sld [smem:$0x0];
	_ =	sdelay $0x2  }
0xb8: {  	s31 =	sshll.u32 s1, $0xD;
	s1 =	sshrl.u32 s1, $0x2  }
0xb9: {  	s3 =	sand.u32 $0x4000, s31;
	s1 =	sadd.s32 s1, s30  }
0xba: {  	s0 =	sor.u32 s3, s0;
	s1 =	sshll.u32 s1, $0x11  }
0xbb: {  	s0 =	sor.u32 s1, s0  }
0xbc: {  	s0 =	sadd.s32 $0x8F2B, s0  }
0xbd: {  	[sflag:s0] =	ssyncadd.remote.s32 $0x1  }
0xbe: {  	_ =	sfence.sel $0xFFFF  }
0xbf: {  	[dreg:$0x0] =	wrdreg $0xFFFFFFFF;
	(pc) =	sbr.abs _section_cstart, $3  }
0xc0: {  	[dreg:$0x1] =	wrdreg $0xFFFFFFFF  }
0xc1: {  	_ =	task.clear_ibuf [dreg:s7], $0x2FFFF;
	_ =	strace $0x9FFFFFFF  }
0xc2: {  	(tm) =	ssettm $0x7FFFFFFF  }
0xc3: {  	_ =	shalt  }
tec
execute0_lowered:
.L_overlay_start_1:
0x0: {  	(tag) =	ssettag $0x1  }
0x1: {  	s2 =	rddreg [dreg:$0x0]  }
0x2: {  	s3 =	rddreg [dreg:$0x1]  }
0x3: {  	s0 =	rddreg [dreg:$0x2];
	s1 =	srdreg.scid;
	_ =	strace $0x80000047  }
0x4: {  	s4 =	simm.s32 $0x1;
	s9 =	simm.s32 $0x3;
	s5 =	sshll.u32 s1, $0x4  }
.Ltmp0:
0x5: {  	s1 =	stileid.u32;
	s5 =	sand.u32 $0x10, s5;
	(pc) =	sbr.rel .LBB2_1-.Ltmp0, $4  }
0x6: {  	s12 =	simm.s32 $0x0;
	s10 =	simm.s32 $0x0;
	s6 =	sor.u32 s1, s5  }
0x7: {  	[sflag:s4] =	ssyncpa.u1 $0x0;
	s5 =	simm.s32 $0x2;
	s6 =	sshll.u32 s6, $0x7  }
0x8: {  	s7 =	sadd.s32 $0x800, s3;
	[sflag:s5] =	ssyncpa.u1 $0x0;
	s8 =	sadd.s32 $0x80, s6  }
0x9: {  	vm0 =	vmmov $0xff;
	vm1 =	vcmask $0x3F20;
	[sflag:s9] =	ssyncpa.u1 $0x0;
	s9 =	simm.s32 $0x80;
	s11 =	smov.u32 s6  }
.LBB2_9:
0xa: {  	p0 =	seq.s32 s10, $0x2  }
.Ltmp1:
0xb: {  	_ = 	snop;
	(pc) =	sbr.rel @p0 .LBB2_11-.Ltmp1, $1  }
0xc: {  	_ =	sdelay $0x3  }
.LBB2_10:
0xd: {  	s12 =	sadd.s32 $0x80, s11  }
0xe: {  	s13 =	smov.u32 s6;
	p0 =	slt.s32 s12, s8  }
0xf: {  	s13 =	smov.u32 @p0 s12  }
0x10: {  	s10 =	sadd.s32 $0x1, s10;
	s12 =	smov.u32 s11;
	s11 =	smov.u32 s13  }
.LBB2_1:
0x11: {  	p0 =	sne.s32 s10, $0x0  }
.Ltmp2:
0x12: {  	_ = 	snop;
	(pc) =	sbr.rel @!p0 .LBB2_2-.Ltmp2, $1  }
0x13: {  	_ =	sdelay $0x3  }
0x14: {  	s13 =	sand.u32 $0x1, s10  }
0x15: {  	p0 =	seq.s32 s13, $0x0  }
.Ltmp3:
0x16: {  	_ = 	snop;
	(pc) =	sbr.rel @p0 .LBB2_9-.Ltmp3, $1  }
0x17: {  	_ =	sdelay $0x3  }
0x18: {  	_ =	swait.ge [sflag:s5], $0x80  }
0x19: {  	[sflag:s5] =	ssyncset.done $0x0  }
0x1a: {  	s13 =	simm.s32 $0x0;
	[sflag:s5] =	ssyncadd.s32 $0xFFFFFF80  }
0x1b: {  	v0 =	vld.msk [tilespmem:s13+$0x80 ss:$0x1], $0xffff;
	_ =	sdelay $0x4  }
0x1c: {  	vm2 =	vgt.s32 v0, $0x0  }
0x1d: {  	v0 =	vnsel vm2, $0x0, v0  }
0x1e: {  	v0 =	vmin.u32 v0, $0xFFF  }
0x1f: {  	v0 =	vshll.u32 v0, $0x4;
	_ =	sdelay $0x3  }
0x20: {  	s13 =	simm.s32 $0x4100  }
0x21: {  	[tilespmem:s13], [sflag:$0x1] =	stream.indirect_vreg.gather [hbm:s2], $0x80, v0, vm0, $0x38;
	[tilespmem:$0x8100] =	vst v63  }
0x22: {  	s14 =	simm.s32 $0x4500;
	s31 =	simm.s32 $0x10  }
0x23: {  	[tilespmem:s14], [sflag:$0x1] =	stream.indirect_vreg.gather [hbm:s2], $0x80, v0, vm1, $0x38;
	[tilespmem:$0x8100] =	vst v63  }
0x24: {  	s14 =	simm.s32 $0x80;
	v0 =	vld.msk [tilespmem:s31+$0x80 ss:$0x1], $0xffff  }
.LBB2_5:
0x25: {  	p0 =	sne.s32 s14, $0x1C0;
	_ =	sdelay $0x4  }
0x26: {  	vm2 =	vgt.s32 v0, $0x0  }
0x27: {  	v0 =	vnsel vm2, $0x0, v0  }
0x28: {  	v0 =	vmin.u32 v0, $0xFFF  }
0x29: {  	v0 =	vshll.u32 v0, $0x4;
	_ =	sdelay $0x3  }
.Ltmp4:
0x2a: {  	s13 =	sadd.s32 $0x800, s13;
	(pc) =	sbr.rel @p0 .LBB2_5-.Ltmp4, $4  }
0x2b: {  	[tilespmem:s13], [sflag:$0x1] =	stream.indirect_vreg.gather [hbm:s2], $0x80, v0, vm0, $0x38;
	[tilespmem:$0x8100] =	vst v63  }
0x2c: {  	s15 =	sshra.s32 s14, $0x2;
	s16 =	sadd.s32 $0x400, s13  }
0x2d: {  	[tilespmem:s16], [sflag:$0x1] =	stream.indirect_vreg.gather [hbm:s2], $0x80, v0, vm1, $0x38;
	[tilespmem:$0x8100] =	vst v63  }
0x2e: {  	s14 =	sadd.s32 $0x40, s14;
	v0 =	vld.msk [tilespmem:s15+$0x80 ss:$0x1], $0xffff  }
0x2f: {  	_ =	sdelay $0x3  }
0x30: {  	vm2 =	vgt.s32 v0, $0x0  }
0x31: {  	v0 =	vnsel vm2, $0x0, v0  }
0x32: {  	v0 =	vmin.u32 v0, $0xFFF  }
0x33: {  	v0 =	vshll.u32 v0, $0x4;
	_ =	sdelay $0x3  }
0x34: {  	s13 =	sadd.s32 $0x800, s13  }
0x35: {  	[tilespmem:s13], [sflag:$0x1] =	stream.indirect_vreg.gather [hbm:s2], $0x80, v0, vm0, $0x38;
	[tilespmem:$0x8100] =	vst v63  }
0x36: {  	s13 =	sadd.s32 $0x400, s13  }
0x37: {  	[tilespmem:s13], [sflag:$0x1] =	stream.indirect_vreg.gather [hbm:s2], $0x80, v0, vm1, $0x38;
	[tilespmem:$0x8100] =	vst v63  }
0x38: {  	s12 =	sshll.u32 s12, $0x4;
	s14 =	simm.s32 $0x80;
	_ =	swait.ge [sflag:s4], $0x4000  }
0x39: {  	s15 =	simm.s32 $0x4500;
	s12 =	sadd.s32 s12, s7;
	[sflag:s4] =	ssyncset.done $0x0  }
0x3a: {  	s16 =	sadd.s32 $0x0, s12;
	s13 =	simm.s32 $0x4100;
	[sflag:s4] =	ssyncadd.s32 $0xFFFFC000  }
.LBB2_7:
0x3b: {  	[hbm:s16] =	stream.linear.scatter [tilespmem:s13], [sflag:$0x3], $0x400, $0x38;
	[tilespmem:$0x8100] =	vst v63  }
0x3c: {  	s16 =	smov.u32 s14;
	s13 =	smov.u32 s15;
	p0 =	sne.s32 s14, $0x780  }
.Ltmp5:
0x3d: {  	s14 =	sadd.s32 $0x80, s14;
	(pc) =	sbr.rel @p0 .LBB2_7-.Ltmp5, $2  }
0x3e: {  	_ =	sdelay $0x2  }
0x3f: {  	s15 =	sadd.s32 $0x400, s15;
	s16 =	sadd.s32 s16, s12  }
.Ltmp6:
0x40: {  	(pc) =	sbr.rel .LBB2_9-.Ltmp6, $2  }
0x41: {  	_ =	sdelay $0x2  }
0x42: {  	[hbm:s16] =	stream.linear.scatter [tilespmem:s13], [sflag:$0x3], $0x400, $0x38;
	[tilespmem:$0x8100] =	vst v63  }
.LBB2_2:
.Ltmp7:
0x43: {  	(pc) =	sbr.rel .LBB2_10-.Ltmp7, $4  }
0x44: {  	_ = 	snop  }
0x45: {  	s12 =	sshrl.u32 s11, $0x3  }
0x46: {  	s13 =	sand.u32 $0x7, s11;
	s12 =	sadd.s32 s3, s12  }
0x47: {  	[tilespmem:s9], [sflag:$0x2] =	stream.linear.gather [hbm4b:s12+s13], $0x80, $0x38;
	[tilespmem:$0x8100] =	vst v63  }
.LBB2_11:
0x48: {  	s2 =	simm.s32 $0x3  }
0x49: {  	_ =	swait.ge [sflag:s2], $0x4000  }
0x4a: {  	[sflag:s2] =	ssyncset.done $0x0  }
0x4b: {  	[sflag:s2] =	ssyncadd.s32 $0xFFFFC000  }
0x4c: {  	_ =	sfence.sel $0x180000  }
0x4d: {  	s3 =	simm.s32 $0x2;
	[bflag:$0x0] =	sbarrier.arrive $0xFFFF  }
0x4e: {  	[sflag:s3] =	ssyncpa.u1 $0x1  }
0x4f: {  	s31 =	simm.s32 $0x1;
	[sflag:s2] =	ssyncpa.u1 $0x1  }
0x50: {  	[sflag:s31] =	ssyncpa.u1 $0x1  }
0x51: {  	p0 =	sne.s32 s1, $0x0;
	_ =	strace $0x90000047  }
0x52: {  	s0 =	sadd.s32 @!p0 $0x100000, s0;
	[bflag:$0x2] =	sbarrier.arrive $0xFFFF  }
0x53: {  	[sflag:s0] =	ssyncadd.tile.s32 @!p0 $0x1;
	_ =	shalt  }
.Lfunc_end2:
_tile_overlayer_lowered:
.L_overlay_start_2:
0x54: {  	(tag) =	ssettag $0x2  }
0x55: {  	s0 =	rddreg [dreg:$0x0];
	s2 =	stileid.u32  }
0x56: {  	s1 =	rddreg [dreg:$0x1];
	p0 =	sne.s32 s2, $0x0  }
0x57: {  	s3 =	rddreg [dreg:$0x2];
	[bflag:$0x3] =	sbarrier.arrive $0xFFFF;
	s2 =	simm.s32 @!p0 $0x1C01  }
0x58: {  	[timem:s3], [sflag:s2] =	dma.local @!p0 [hbm:s0], s1  }
0x59: {  	s0 =	simm.s32 @!p0 $0x1  }
0x5a: {  	_ =	swait.ge @!p0 [sflag:s0], s1  }
0x5b: {  	s1 =	ssub.s32 @!p0 $0x0, s1;
	[sflag:s0] =	ssyncset.done @!p0 $0x0  }
0x5c: {  	[sflag:s0] =	ssyncadd.s32 @!p0 s1  }
0x5d: {  	[bflag:$0x3] =	sbarrier.arrive $0xFFFF  }
0x5e: {  	_ =	shalt  }

// kernel: gather_offload_async_start.4
scs
__scs_entry_jumppad:
0x0: {  	(pc) =	sbr.rel $0x88, $3  }
0x1: {  	(tag) =	ssettag $0x0;
	lr =	simm.s32 $0x1  }
0x2: {  	[smem:$0x3F8F] =	sst lr;
	_ =	strace $0xD0000000  }
0x3: {  	_ = 	snop  }
0x4: {  	_ = 	snop  }
0x5: {  	_ = 	snop  }
0x6: {  	_ = 	snop  }
0x7: {  	_ = 	snop  }
__scs_overlays_trampoline_lowered:
0x8: {  	[smem:$0x3F9E] =	sst s0  }
0x9: {  	[smem:$0x3F9F] =	sst s1  }
0xa: {  	[smem:$0x3FA0] =	sst s2  }
0xb: {  	[smem:$0x3FA1] =	sst s3  }
0xc: {  	[smem:$0x3FA2] =	sst s4  }
0xd: {  	[smem:$0x3FA3] =	sst s5  }
0xe: {  	[smem:$0x3FA4] =	sst s6  }
0xf: {  	[smem:$0x3FA5] =	sst s7  }
0x10: {  	[smem:$0x3FA6] =	sst s8  }
0x11: {  	[smem:$0x3FA7] =	sst s9;
	s0 =	simm.s32 @!p0 $0x0  }
0x12: {  	s1 =	sld [smem:$0x3F8D];
	s0 =	simm.s32 @p0 $0x1  }
0x13: {  	[smem:$0x3FA8] =	sst s0;
	s0 =	simm.s32 @!p1 $0x0  }
0x14: {  	s2 =	sld [smem:$0x3F8C];
	s0 =	simm.s32 @p1 $0x1  }
0x15: {  	[smem:$0x3FA9] =	sst s0;
	s0 =	simm.s32 @!p2 $0x0  }
0x16: {  	s3 =	sld [smem:$0x3FDB];
	s0 =	simm.s32 @p2 $0x1  }
0x17: {  	s4 =	simm.s32 $0x1BF5;
	[smem:$0x3FAB] =	sst s0  }
0x18: {  	s0 =	sld [smem:$0x3F8E];
	_ =	swait.ge [sflag:s4], $0x0  }
0x19: {  	s7 =	sld [smem:$0x3F8F]  }
0x1a: {  	s8 =	sadd.s32 $0xFFFFE003, lr  }
0x1b: {  	s9 =	sadd.s32 $0xFFFFFEF7, lr;
	s5 =	simm.s32 $0xFFFFFFFF;
	p2 =	slt.u32 s8, $0xFFFFF086  }
0x1c: {  	p1 =	slt.u32 s9, $0xF7A;
	s5 =	simm.s32 @!p2 $0x0  }
0x1d: {  	s5 =	simm.s32 @p1 $0x1;
	p0 =	seq.s32 s7, s2  }
0x1e: {  	s7 =	smul.u32 @!p0 $0xF7A, s2;
	p2 =	seq.s32 @!p0 s5, $0x0  }
0x1f: {  	s9 =	smul.u32 $0xF7A, s1;
	s8 =	simm.s32 @!p0 $0x1BF5;
	p2 =	por !p2, p0  }
0x20: {  	[sflag:s8] =	ssyncset.s32 @!p0 $0xFFFFF086;
	s6 =	sadd.s32 @!p0 s3, s7;
	s7 =	simm.s32 @!p0 $0x108  }
0x21: {  	s3 =	sadd.s32 s3, s9;
	s6 =	sadd.s32 @!p0 $0x88, s6;
	s7 =	simm.s32 @p2 $0x1082  }
0x22: {  	[simem:s7], [sflag:s8] =	dma.local @!p0 [hbm:s6], $0xF7A  }
0x23: {  	s9 =	sor.u32 $0xD0000000, s2;
	s6 =	simm.s32 $0x108;
	_ =	swait.ge @!p0 [sflag:s8], $0x0  }
0x24: {  	s3 =	sadd.s32 $0x88, s3;
	s6 =	simm.s32 @!p1 $0x1082;
	[sflag:s4] =	ssyncset.s32 $0xFFFFF086  }
0x25: {  	[simem:s6], [sflag:s4] =	dma.local [hbm:s3], $0xF7A  }
0x26: {  	[smem:$0x3F8F] =	sst s1;
	(tag) =	ssettag s2;
	_ =	strace s9  }
0x27: {  	s1 =	sld [smem:$0x3F9F]  }
0x28: {  	s2 =	sld [smem:$0x3FA0]  }
0x29: {  	s4 =	sld [smem:$0x3FA2]  }
0x2a: {  	p0 =	seq.s32 s5, $0x0;
	s5 =	sld [smem:$0x3FA3]  }
0x2b: {  	s6 =	sld [smem:$0x3FA4]  }
0x2c: {  	s7 =	sld [smem:$0x3FA5]  }
0x2d: {  	s3 =	simm.s32 $0x108;
	s8 =	sld [smem:$0x3FA6]  }
0x2e: {  	s3 =	simm.s32 @!p0 $0x1082;
	s9 =	sld [smem:$0x3FA7]  }
0x2f: {  	lr =	sadd.s32 s0, s3;
	s0 =	sld [smem:$0x3F9E]  }
0x30: {  	s3 =	sld [smem:$0x3FA1]  }
0x31: {  	[smem:$0x3FAA] =	sst s10  }
0x32: {  	s10 =	sld [smem:$0x3FA8];
	_ =	sdelay $0x3  }
0x33: {  	p0 =	seq.s32 s10, $0x1;
	s10 =	sld [smem:$0x3FAA];
	_ =	sdelay $0x3  }
0x34: {  	[smem:$0x3FAA] =	sst s10  }
0x35: {  	s10 =	sld [smem:$0x3FA9];
	_ =	sdelay $0x3  }
0x36: {  	p1 =	seq.s32 s10, $0x1;
	s10 =	sld [smem:$0x3FAA];
	_ =	sdelay $0x3  }
0x37: {  	[smem:$0x3FAA] =	sst s10  }
0x38: {  	s10 =	sld [smem:$0x3FAB]  }
0x39: {  	_ = 	snop;
	(pc) =	sbr.ind lr, $3  }
0x3a: {  	_ = 	snop  }
0x3b: {  	_ = 	snop  }
0x3c: {  	p2 =	seq.s32 s10, $0x1;
	s10 =	sld [smem:$0x3FAA]  }
0x3d: {  	_ =	shalt  }
0x3e: {  	_ =	shalt  }
0x3f: {  	_ =	shalt  }
0x40: {  	_ =	shalt  }
0x41: {  	_ =	shalt  }
0x42: {  	_ =	shalt  }
0x43: {  	_ =	shalt  }
0x44: {  	_ =	shalt  }
0x45: {  	_ =	shalt  }
0x46: {  	_ =	shalt  }
0x47: {  	_ =	shalt  }
0x48: {  	_ =	shalt  }
0x49: {  	_ =	shalt  }
0x4a: {  	_ =	shalt  }
0x4b: {  	_ =	shalt  }
0x4c: {  	_ =	shalt  }
0x4d: {  	_ =	shalt  }
0x4e: {  	_ =	shalt  }
0x4f: {  	_ =	shalt  }
0x50: {  	_ =	shalt  }
0x51: {  	_ =	shalt  }
0x52: {  	_ =	shalt  }
0x53: {  	_ =	shalt  }
0x54: {  	_ =	shalt  }
0x55: {  	_ =	shalt  }
0x56: {  	_ =	shalt  }
0x57: {  	_ =	shalt  }
0x58: {  	_ =	shalt  }
0x59: {  	_ =	shalt  }
0x5a: {  	_ =	shalt  }
0x5b: {  	_ =	shalt  }
0x5c: {  	_ =	shalt  }
0x5d: {  	_ =	shalt  }
0x5e: {  	_ =	shalt  }
0x5f: {  	_ =	shalt  }
0x60: {  	_ =	shalt  }
0x61: {  	_ =	shalt  }
0x62: {  	_ =	shalt  }
0x63: {  	_ =	shalt  }
0x64: {  	_ =	shalt  }
0x65: {  	_ =	shalt  }
0x66: {  	_ =	shalt  }
0x67: {  	_ =	shalt  }
0x68: {  	_ =	shalt  }
0x69: {  	_ =	shalt  }
0x6a: {  	_ =	shalt  }
0x6b: {  	_ =	shalt  }
0x6c: {  	_ =	shalt  }
0x6d: {  	_ =	shalt  }
0x6e: {  	_ =	shalt  }
0x6f: {  	_ =	shalt  }
0x70: {  	_ =	shalt  }
0x71: {  	_ =	shalt  }
0x72: {  	_ =	shalt  }
0x73: {  	_ =	shalt  }
0x74: {  	_ =	shalt  }
0x75: {  	_ =	shalt  }
0x76: {  	_ =	shalt  }
0x77: {  	_ =	shalt  }
0x78: {  	_ =	shalt  }
0x79: {  	_ =	shalt  }
0x7a: {  	_ =	shalt  }
0x7b: {  	_ =	shalt  }
0x7c: {  	_ =	shalt  }
0x7d: {  	_ =	shalt  }
0x7e: {  	_ =	shalt  }
0x7f: {  	_ =	shalt  }
0x80: {  	_ =	shalt  }
0x81: {  	_ =	shalt  }
0x82: {  	_ =	shalt  }
0x83: {  	_ =	shalt  }
0x84: {  	_ =	shalt  }
0x85: {  	_ =	shalt  }
0x86: {  	_ =	shalt  }
0x87: {  	_ =	shalt  }
.Lfunc_end0:
.L_simem_size_0:
called_computation.4_lowered:
.L_overlay_start_0:
0x88: {  	s2 =	sld [smem:$0x3FD9]  }
0x89: {  	s3 =	sld [smem:$0x3FFE];
	_ =	sdelay $0x1  }
0x8a: {  	s1 =	srdreg.scid  }
0x8b: {  	s0 =	sand.u32 $0x1, s1  }
0x8c: {  	s17 =	sshll.u32 s0, $0xA;
	s2 =	sadd.s32 s3, s2  }
0x8d: {  	s2 =	sadd.s32 s2, s17  }
0x8e: {  	[smem:$0x3FB6] =	sst s2  }
0x8f: {  	_ = 	snop  }
0x90: {  	s2 =	sld [smem:$0x3FD0];
	(tm) =	ssettm $0x1  }
0x91: {  	s18 =	sld [smem:$0x3FFB];
	_ =	sdelay $0x3  }
0x92: {  	_ =	strace s18  }
0x93: {  	s3 =	sld [smem:$0x3FFC];
	_ =	sdelay $0x3  }
0x94: {  	_ =	strace s3  }
0x95: {  	s3 =	sld [smem:$0x3FFD];
	_ =	sdelay $0x3  }
0x96: {  	_ =	strace s3  }
0x97: {  	_ =	strace $0x8FFFFFFF  }
0x98: {  	s19 =	sld [smem:$0x3FDB];
	_ =	sdelay $0x1  }
0x99: {  	s4 =	simm.s32 $_scs_section_size  }
0x9a: {  	s5 =	simm.s32 $_size__tile_overlayer_lowered;
	s6 =	simm.s32 $_tile_overlayer_lowered  }
0x9b: {  	s22 =	simm.s32 $0x1BFF;
	s21 =	sshll.u32 s6, $0x1;
	s3 =	sadd.s32 s4, s19  }
0x9c: {  	s7 =	simm.s32 $0x0;
	s20 =	sshll.u32 s5, $0x1;
	s5 =	sadd.s32 s21, s3  }
0x9d: {  	[timem:s7], [sflag:s22] =	dma.local [hbm:s5], s20  }
0x9e: {  	_ =	swait.ge [sflag:s22], s20  }
0x9f: {  	s4 =	ssub.s32 $0x0, s20;
	[sflag:s22] =	ssyncset.done $0x0  }
0xa0: {  	[sflag:s22] =	ssyncadd.s32 s4;
	_ =	sdelay $0x1  }
0xa1: {  	s23 =	simm.s32 $0x1B8B  }
0xa2: {  	_ =	swait.ge [sflag:s23], $0x1  }
0xa3: {  	[sflag:s23] =	ssyncset.done $0x0  }
0xa4: {  	s25 =	simm.s32 $0x1B8E;
	s24 =	sld [smem:$0x3FFE];
	[sflag:s23] =	ssyncadd.s32 $0xFFFFFFFF  }
0xa5: {  	s26 =	simm.s32 $execute0_lowered;
	[smem:$0x3FD2] =	sst s25  }
0xa6: {  	s5 =	sshll.u32 s26, $0x1;
	_ =	strace $0x80000052;
	[dreg:$0x1] =	wrdreg $0xFFFFFFFF  }
0xa7: {  	s28 =	simm.s32 $_size_execute0_lowered;
	s3 =	sadd.s32 s3, s5;
	[dreg:$0x0] =	wrdreg $0x0  }
0xa8: {  	s5 =	sshll.u32 s28, $0x1;
	[dreg:$0x2] =	wrdreg s3  }
0xa9: {  	[dreg:$0x3] =	wrdreg s5  }
0xaa: {  	[dreg:$0x4] =	wrdreg $0xC0  }
0xab: {  	_ =	task [dreg:s7], $0x5FFFF  }
0xac: {  	[dreg:$0x1] =	wrdreg $0xFFFFFFFF  }
0xad: {  	[dreg:$0x0] =	wrdreg $0x60  }
0xae: {  	[dreg:$0x2] =	wrdreg s2  }
0xaf: {  	[dreg:$0x3] =	wrdreg s24  }
0xb0: {  	[dreg:$0x4] =	wrdreg $0x9  }
0xb1: {  	_ =	task.clear_ibuf [dreg:s7], $0x5FFFF;
	_ =	strace $0x90000052  }
0xb2: {  	s29 =	simm.s32 $0x9;
	_ =	strace $0x80000054  }
0xb3: {  	_ =	swait.ge [sflag:s29], $0x1  }
0xb4: {  	[sflag:s29] =	ssyncadd.s32 $0xFFFFFFFF  }
0xb5: {  	_ =	strace $0x90000054  }
0xb6: {  	_ =	sfence  }
0xb7: {  	s30 =	sld [smem:$0x0];
	_ =	sdelay $0x2  }
0xb8: {  	s31 =	sshll.u32 s1, $0xD;
	s1 =	sshrl.u32 s1, $0x2  }
0xb9: {  	s3 =	sand.u32 $0x4000, s31;
	s1 =	sadd.s32 s1, s30  }
0xba: {  	s0 =	sor.u32 s3, s0;
	s1 =	sshll.u32 s1, $0x11  }
0xbb: {  	s0 =	sor.u32 s1, s0  }
0xbc: {  	s0 =	sadd.s32 $0x8F2B, s0  }
0xbd: {  	[sflag:s0] =	ssyncadd.remote.s32 $0x1  }
0xbe: {  	_ =	sfence.sel $0xFFFF  }
0xbf: {  	[dreg:$0x0] =	wrdreg $0xFFFFFFFF;
	(pc) =	sbr.abs _section_cstart, $3  }
0xc0: {  	[dreg:$0x1] =	wrdreg $0xFFFFFFFF  }
0xc1: {  	_ =	task.clear_ibuf [dreg:s7], $0x2FFFF;
	_ =	strace $0x9FFFFFFF  }
0xc2: {  	(tm) =	ssettm $0x7FFFFFFF  }
0xc3: {  	_ =	shalt  }
tec
execute0_lowered:
.L_overlay_start_1:
0x0: {  	(tag) =	ssettag $0x1  }
0x1: {  	s2 =	rddreg [dreg:$0x0]  }
0x2: {  	s7 =	rddreg [dreg:$0x1]  }
0x3: {  	s0 =	rddreg [dreg:$0x2]  }
0x4: {  	s1 =	srdreg.scid;
	_ =	strace $0x80000053;
	s4 =	simm.s32 $0x1  }
0x5: {  	s9 =	simm.s32 $0x3;
	s12 =	simm.s32 $0x0;
	s5 =	sshll.u32 s1, $0x4  }
.Ltmp0:
0x6: {  	s1 =	stileid.u32;
	s5 =	sand.u32 $0x10, s5;
	(pc) =	sbr.rel .LBB2_1-.Ltmp0, $4  }
0x7: {  	s10 =	simm.s32 $0x0;
	s3 =	sadd.s32 $0x600, s7;
	s6 =	sor.u32 s1, s5  }
0x8: {  	[sflag:s4] =	ssyncpa.u1 $0x0;
	s5 =	simm.s32 $0x2;
	s6 =	sshll.u32 s6, $0x7  }
0x9: {  	s7 =	sadd.s32 $0x800, s7;
	[sflag:s5] =	ssyncpa.u1 $0x0;
	s8 =	sadd.s32 $0x80, s6  }
0xa: {  	vm0 =	vmmov $0xff;
	vm1 =	vcmask $0x3F20;
	[sflag:s9] =	ssyncpa.u1 $0x0;
	s9 =	simm.s32 $0x80;
	s11 =	smov.u32 s6  }
.LBB2_10:
0xb: {  	[hbm:s16] =	stream.linear.scatter [tilespmem:s13], [sflag:$0x3], $0x800, $0x38;
	[tilespmem:$0x10100] =	vst v63  }
.LBB2_11:
0xc: {  	p0 =	seq.s32 s10, $0x2  }
.Ltmp1:
0xd: {  	_ = 	snop;
	(pc) =	sbr.rel @p0 .LBB2_13-.Ltmp1, $1  }
0xe: {  	_ =	sdelay $0x3  }
.LBB2_12:
0xf: {  	s12 =	sadd.s32 $0x80, s11  }
0x10: {  	s13 =	smov.u32 s6;
	p0 =	slt.s32 s12, s8  }
0x11: {  	s13 =	smov.u32 @p0 s12  }
0x12: {  	s10 =	sadd.s32 $0x1, s10;
	s12 =	smov.u32 s11;
	s11 =	smov.u32 s13  }
.LBB2_1:
0x13: {  	p0 =	sne.s32 s10, $0x0  }
.Ltmp2:
0x14: {  	_ = 	snop;
	(pc) =	sbr.rel @!p0 .LBB2_2-.Ltmp2, $1  }
0x15: {  	_ =	sdelay $0x3  }
0x16: {  	s13 =	sand.u32 $0x1, s10  }
0x17: {  	p0 =	seq.s32 s13, $0x0  }
.Ltmp3:
0x18: {  	_ = 	snop;
	(pc) =	sbr.rel @p0 .LBB2_11-.Ltmp3, $1  }
0x19: {  	_ =	sdelay $0x3  }
0x1a: {  	_ =	swait.ge [sflag:s5], $0x80  }
0x1b: {  	[sflag:s5] =	ssyncset.done $0x0  }
0x1c: {  	s13 =	simm.s32 $0x0;
	[sflag:s5] =	ssyncadd.s32 $0xFFFFFF80  }
.LBB2_5:
0x1d: {  	s14 =	sshll.u32 s13, $0x4  }
0x1e: {  	s14 =	sand.u32 $0x3FFFFFF0, s14  }
0x1f: {  	v0 =	vld.msk [tilespmem:s14+$0x80 ss:$0x1], $0xffff;
	_ =	sdelay $0x4  }
0x20: {  	vm2 =	vgt.s32 v0, $0x0  }
0x21: {  	v0 =	vnsel vm2, $0x0, v0  }
0x22: {  	v0 =	vmin.u32 v0, $0xFFF  }
0x23: {  	s31 =	sshll.u32 s13, $0xC;
	v1 =	vshll.u32 v0, $0x5;
	v0 =	vshll.u32 v0, $0x4  }
0x24: {  	s14 =	sand.u32 $0x3FFFF000, s31;
	v1 =	vand.u32 $0x1FF00, v1;
	v0 =	vand.u32 $0x70, v0  }
0x25: {  	p0 =	por $0x1, $0x1;
	s15 =	simm.s32 $0x0;
	s14 =	sadd.s32 $0x8100, s14;
	v0 =	vor.u32 v0, v1  }
.LBB2_6:
0x26: {  	_ =	sdelay $0x1  }
0x27: {  	s15 =	sshra.s32 s15, $0x2;
	p1 =	por p0, p0  }
.Ltmp4:
0x28: {  	s15 =	sadd.s32 s15, s14;
	(pc) =	sbr.rel @p1 .LBB2_6-.Ltmp4, $4  }
0x29: {  	[tilespmem:s15], [sflag:$0x1] =	stream.indirect_vreg.gather [hbm:s2], $0x80, v0, vm0, $0x38;
	[tilespmem:$0x10100] =	vst v63  }
0x2a: {  	s15 =	sadd.s32 $0x800, s15  }
0x2b: {  	[tilespmem:s15], [sflag:$0x1] =	stream.indirect_vreg.gather [hbm:s2], $0x80, v0, vm1, $0x38;
	[tilespmem:$0x10100] =	vst v63  }
0x2c: {  	p0 =	por $0x0, $0x0;
	v0 =	vadd.s32 $0x80, v0;
	s15 =	simm.s32 $0x1000  }
0x2d: {  	s13 =	sadd.s32 $0x1, s13  }
0x2e: {  	p0 =	sne.s32 s13, $0x8  }
.Ltmp5:
0x2f: {  	_ = 	snop;
	(pc) =	sbr.rel @p0 .LBB2_5-.Ltmp5, $1  }
0x30: {  	_ =	sdelay $0x3  }
0x31: {  	s13 =	sshll.u32 s12, $0x5  }
0x32: {  	_ =	swait.ge [sflag:s4], $0x8000;
	s31 =	sshll.u32 s12, $0x4;
	s13 =	sand.u32 $0xFFFFFF00, s13  }
0x33: {  	s14 =	simm.s32 $0x100;
	s12 =	sand.u32 $0x70, s31;
	s13 =	sadd.s32 s13, s7  }
0x34: {  	s15 =	simm.s32 $0x8900;
	[sflag:s4] =	ssyncset.done $0x0;
	s12 =	sadd.s32 s12, s13  }
0x35: {  	[sflag:s4] =	ssyncadd.s32 $0xFFFF8000;
	s13 =	simm.s32 $0x8100;
	s16 =	sadd.s32 $0x0, s12  }
.LBB2_9:
0x36: {  	[hbm:s16] =	stream.linear.scatter [tilespmem:s13], [sflag:$0x3], $0x800, $0x38;
	[tilespmem:$0x10100] =	vst v63  }
0x37: {  	s16 =	smov.u32 s14;
	s13 =	smov.u32 s15;
	p0 =	sne.s32 s14, $0xF00  }
.Ltmp6:
0x38: {  	s14 =	sadd.s32 $0x100, s14;
	(pc) =	sbr.rel @p0 .LBB2_9-.Ltmp6, $2  }
0x39: {  	_ =	sdelay $0x2  }
0x3a: {  	s15 =	sadd.s32 $0x800, s15;
	s16 =	sadd.s32 s16, s12  }
.Ltmp7:
0x3b: {  	_ = 	snop;
	(pc) =	sbr.rel .LBB2_10-.Ltmp7, $1  }
0x3c: {  	_ =	sdelay $0x3  }
.LBB2_2:
.Ltmp8:
0x3d: {  	(pc) =	sbr.rel .LBB2_12-.Ltmp8, $4  }
0x3e: {  	_ = 	snop  }
0x3f: {  	s12 =	sshrl.u32 s11, $0x3  }
0x40: {  	s13 =	sand.u32 $0x7, s11;
	s12 =	sadd.s32 s3, s12  }
0x41: {  	[tilespmem:s9], [sflag:$0x2] =	stream.linear.gather [hbm4b:s12+s13], $0x80, $0x38;
	[tilespmem:$0x10100] =	vst v63  }
.LBB2_13:
0x42: {  	s2 =	simm.s32 $0x3  }
0x43: {  	_ =	swait.ge [sflag:s2], $0x8000  }
0x44: {  	[sflag:s2] =	ssyncset.done $0x0  }
0x45: {  	[sflag:s2] =	ssyncadd.s32 $0xFFFF8000  }
0x46: {  	_ =	sfence.sel $0x180000  }
0x47: {  	s3 =	simm.s32 $0x2;
	[bflag:$0x0] =	sbarrier.arrive $0xFFFF  }
0x48: {  	[sflag:s3] =	ssyncpa.u1 $0x1  }
0x49: {  	s31 =	simm.s32 $0x1;
	[sflag:s2] =	ssyncpa.u1 $0x1  }
0x4a: {  	[sflag:s31] =	ssyncpa.u1 $0x1  }
0x4b: {  	p0 =	sne.s32 s1, $0x0;
	_ =	strace $0x90000053  }
0x4c: {  	s0 =	sadd.s32 @!p0 $0x100000, s0;
	[bflag:$0x2] =	sbarrier.arrive $0xFFFF  }
0x4d: {  	[sflag:s0] =	ssyncadd.tile.s32 @!p0 $0x1;
	_ =	shalt  }
.Lfunc_end2:
_tile_overlayer_lowered:
.L_overlay_start_2:
0x4e: {  	(tag) =	ssettag $0x2  }
0x4f: {  	s0 =	rddreg [dreg:$0x0];
	s2 =	stileid.u32  }
0x50: {  	s1 =	rddreg [dreg:$0x1];
	p0 =	sne.s32 s2, $0x0  }
0x51: {  	s3 =	rddreg [dreg:$0x2];
	[bflag:$0x3] =	sbarrier.arrive $0xFFFF;
	s2 =	simm.s32 @!p0 $0x1C01  }
0x52: {  	[timem:s3], [sflag:s2] =	dma.local @!p0 [hbm:s0], s1  }
0x53: {  	s0 =	simm.s32 @!p0 $0x1  }
0x54: {  	_ =	swait.ge @!p0 [sflag:s0], s1  }
0x55: {  	s1 =	ssub.s32 @!p0 $0x0, s1;
	[sflag:s0] =	ssyncset.done @!p0 $0x0  }
0x56: {  	[sflag:s0] =	ssyncadd.s32 @!p0 s1  }
0x57: {  	[bflag:$0x3] =	sbarrier.arrive $0xFFFF  }
0x58: {  	_ =	shalt  }

// kernel: gather_offload_async_start
scs
__scs_entry_jumppad:
0x0: {  	(pc) =	sbr.rel $0x88, $3  }
0x1: {  	(tag) =	ssettag $0x0;
	lr =	simm.s32 $0x1  }
0x2: {  	[smem:$0x3F8F] =	sst lr;
	_ =	strace $0xD0000000  }
0x3: {  	_ = 	snop  }
0x4: {  	_ = 	snop  }
0x5: {  	_ = 	snop  }
0x6: {  	_ = 	snop  }
0x7: {  	_ = 	snop  }
__scs_overlays_trampoline_lowered:
0x8: {  	[smem:$0x3F9E] =	sst s0  }
0x9: {  	[smem:$0x3F9F] =	sst s1  }
0xa: {  	[smem:$0x3FA0] =	sst s2  }
0xb: {  	[smem:$0x3FA1] =	sst s3  }
0xc: {  	[smem:$0x3FA2] =	sst s4  }
0xd: {  	[smem:$0x3FA3] =	sst s5  }
0xe: {  	[smem:$0x3FA4] =	sst s6  }
0xf: {  	[smem:$0x3FA5] =	sst s7  }
0x10: {  	[smem:$0x3FA6] =	sst s8  }
0x11: {  	[smem:$0x3FA7] =	sst s9;
	s0 =	simm.s32 @!p0 $0x0  }
0x12: {  	s1 =	sld [smem:$0x3F8D];
	s0 =	simm.s32 @p0 $0x1  }
0x13: {  	[smem:$0x3FA8] =	sst s0;
	s0 =	simm.s32 @!p1 $0x0  }
0x14: {  	s2 =	sld [smem:$0x3F8C];
	s0 =	simm.s32 @p1 $0x1  }
0x15: {  	[smem:$0x3FA9] =	sst s0;
	s0 =	simm.s32 @!p2 $0x0  }
0x16: {  	s3 =	sld [smem:$0x3FDB];
	s0 =	simm.s32 @p2 $0x1  }
0x17: {  	s4 =	simm.s32 $0x1BF5;
	[smem:$0x3FAB] =	sst s0  }
0x18: {  	s0 =	sld [smem:$0x3F8E];
	_ =	swait.ge [sflag:s4], $0x0  }
0x19: {  	s7 =	sld [smem:$0x3F8F]  }
0x1a: {  	s8 =	sadd.s32 $0xFFFFE003, lr  }
0x1b: {  	s9 =	sadd.s32 $0xFFFFFEF7, lr;
	s5 =	simm.s32 $0xFFFFFFFF;
	p2 =	slt.u32 s8, $0xFFFFF086  }
0x1c: {  	p1 =	slt.u32 s9, $0xF7A;
	s5 =	simm.s32 @!p2 $0x0  }
0x1d: {  	s5 =	simm.s32 @p1 $0x1;
	p0 =	seq.s32 s7, s2  }
0x1e: {  	s7 =	smul.u32 @!p0 $0xF7A, s2;
	p2 =	seq.s32 @!p0 s5, $0x0  }
0x1f: {  	s9 =	smul.u32 $0xF7A, s1;
	s8 =	simm.s32 @!p0 $0x1BF5;
	p2 =	por !p2, p0  }
0x20: {  	[sflag:s8] =	ssyncset.s32 @!p0 $0xFFFFF086;
	s6 =	sadd.s32 @!p0 s3, s7;
	s7 =	simm.s32 @!p0 $0x108  }
0x21: {  	s3 =	sadd.s32 s3, s9;
	s6 =	sadd.s32 @!p0 $0x88, s6;
	s7 =	simm.s32 @p2 $0x1082  }
0x22: {  	[simem:s7], [sflag:s8] =	dma.local @!p0 [hbm:s6], $0xF7A  }
0x23: {  	s9 =	sor.u32 $0xD0000000, s2;
	s6 =	simm.s32 $0x108;
	_ =	swait.ge @!p0 [sflag:s8], $0x0  }
0x24: {  	s3 =	sadd.s32 $0x88, s3;
	s6 =	simm.s32 @!p1 $0x1082;
	[sflag:s4] =	ssyncset.s32 $0xFFFFF086  }
0x25: {  	[simem:s6], [sflag:s4] =	dma.local [hbm:s3], $0xF7A  }
0x26: {  	[smem:$0x3F8F] =	sst s1;
	(tag) =	ssettag s2;
	_ =	strace s9  }
0x27: {  	s1 =	sld [smem:$0x3F9F]  }
0x28: {  	s2 =	sld [smem:$0x3FA0]  }
0x29: {  	s4 =	sld [smem:$0x3FA2]  }
0x2a: {  	p0 =	seq.s32 s5, $0x0;
	s5 =	sld [smem:$0x3FA3]  }
0x2b: {  	s6 =	sld [smem:$0x3FA4]  }
0x2c: {  	s7 =	sld [smem:$0x3FA5]  }
0x2d: {  	s3 =	simm.s32 $0x108;
	s8 =	sld [smem:$0x3FA6]  }
0x2e: {  	s3 =	simm.s32 @!p0 $0x1082;
	s9 =	sld [smem:$0x3FA7]  }
0x2f: {  	lr =	sadd.s32 s0, s3;
	s0 =	sld [smem:$0x3F9E]  }
0x30: {  	s3 =	sld [smem:$0x3FA1]  }
0x31: {  	[smem:$0x3FAA] =	sst s10  }
0x32: {  	s10 =	sld [smem:$0x3FA8];
	_ =	sdelay $0x3  }
0x33: {  	p0 =	seq.s32 s10, $0x1;
	s10 =	sld [smem:$0x3FAA];
	_ =	sdelay $0x3  }
0x34: {  	[smem:$0x3FAA] =	sst s10  }
0x35: {  	s10 =	sld [smem:$0x3FA9];
	_ =	sdelay $0x3  }
0x36: {  	p1 =	seq.s32 s10, $0x1;
	s10 =	sld [smem:$0x3FAA];
	_ =	sdelay $0x3  }
0x37: {  	[smem:$0x3FAA] =	sst s10  }
0x38: {  	s10 =	sld [smem:$0x3FAB]  }
0x39: {  	_ = 	snop;
	(pc) =	sbr.ind lr, $3  }
0x3a: {  	_ = 	snop  }
0x3b: {  	_ = 	snop  }
0x3c: {  	p2 =	seq.s32 s10, $0x1;
	s10 =	sld [smem:$0x3FAA]  }
0x3d: {  	_ =	shalt  }
0x3e: {  	_ =	shalt  }
0x3f: {  	_ =	shalt  }
0x40: {  	_ =	shalt  }
0x41: {  	_ =	shalt  }
0x42: {  	_ =	shalt  }
0x43: {  	_ =	shalt  }
0x44: {  	_ =	shalt  }
0x45: {  	_ =	shalt  }
0x46: {  	_ =	shalt  }
0x47: {  	_ =	shalt  }
0x48: {  	_ =	shalt  }
0x49: {  	_ =	shalt  }
0x4a: {  	_ =	shalt  }
0x4b: {  	_ =	shalt  }
0x4c: {  	_ =	shalt  }
0x4d: {  	_ =	shalt  }
0x4e: {  	_ =	shalt  }
0x4f: {  	_ =	shalt  }
0x50: {  	_ =	shalt  }
0x51: {  	_ =	shalt  }
0x52: {  	_ =	shalt  }
0x53: {  	_ =	shalt  }
0x54: {  	_ =	shalt  }
0x55: {  	_ =	shalt  }
0x56: {  	_ =	shalt  }
0x57: {  	_ =	shalt  }
0x58: {  	_ =	shalt  }
0x59: {  	_ =	shalt  }
0x5a: {  	_ =	shalt  }
0x5b: {  	_ =	shalt  }
0x5c: {  	_ =	shalt  }
0x5d: {  	_ =	shalt  }
0x5e: {  	_ =	shalt  }
0x5f: {  	_ =	shalt  }
0x60: {  	_ =	shalt  }
0x61: {  	_ =	shalt  }
0x62: {  	_ =	shalt  }
0x63: {  	_ =	shalt  }
0x64: {  	_ =	shalt  }
0x65: {  	_ =	shalt  }
0x66: {  	_ =	shalt  }
0x67: {  	_ =	shalt  }
0x68: {  	_ =	shalt  }
0x69: {  	_ =	shalt  }
0x6a: {  	_ =	shalt  }
0x6b: {  	_ =	shalt  }
0x6c: {  	_ =	shalt  }
0x6d: {  	_ =	shalt  }
0x6e: {  	_ =	shalt  }
0x6f: {  	_ =	shalt  }
0x70: {  	_ =	shalt  }
0x71: {  	_ =	shalt  }
0x72: {  	_ =	shalt  }
0x73: {  	_ =	shalt  }
0x74: {  	_ =	shalt  }
0x75: {  	_ =	shalt  }
0x76: {  	_ =	shalt  }
0x77: {  	_ =	shalt  }
0x78: {  	_ =	shalt  }
0x79: {  	_ =	shalt  }
0x7a: {  	_ =	shalt  }
0x7b: {  	_ =	shalt  }
0x7c: {  	_ =	shalt  }
0x7d: {  	_ =	shalt  }
0x7e: {  	_ =	shalt  }
0x7f: {  	_ =	shalt  }
0x80: {  	_ =	shalt  }
0x81: {  	_ =	shalt  }
0x82: {  	_ =	shalt  }
0x83: {  	_ =	shalt  }
0x84: {  	_ =	shalt  }
0x85: {  	_ =	shalt  }
0x86: {  	_ =	shalt  }
0x87: {  	_ =	shalt  }
.Lfunc_end0:
.L_simem_size_0:
called_computation_lowered:
.L_overlay_start_0:
0x88: {  	s2 =	sld [smem:$0x3FD9]  }
0x89: {  	s3 =	sld [smem:$0x3FFE];
	_ =	sdelay $0x1  }
0x8a: {  	s1 =	srdreg.scid  }
0x8b: {  	s0 =	sand.u32 $0x1, s1  }
0x8c: {  	s17 =	sshll.u32 s0, $0xA;
	s2 =	sadd.s32 s3, s2  }
0x8d: {  	s2 =	sadd.s32 s2, s17  }
0x8e: {  	[smem:$0x3FB6] =	sst s2  }
0x8f: {  	_ = 	snop  }
0x90: {  	s4 =	sld [smem:$0x3FC9]  }
0x91: {  	s18 =	sld [smem:$0x3FD0];
	(tm) =	ssettm $0x1  }
0x92: {  	s19 =	sld [smem:$0x3FFB];
	_ =	sdelay $0x3  }
0x93: {  	_ =	strace s19  }
0x94: {  	s2 =	sld [smem:$0x3FFC];
	_ =	sdelay $0x3  }
0x95: {  	_ =	strace s2  }
0x96: {  	s2 =	sld [smem:$0x3FFD];
	_ =	sdelay $0x3  }
0x97: {  	_ =	strace s2  }
0x98: {  	_ =	strace $0x8FFFFFFF  }
0x99: {  	s20 =	sld [smem:$0x3FDB];
	_ =	sdelay $0x1  }
0x9a: {  	s5 =	simm.s32 $_scs_section_size  }
0x9b: {  	s6 =	simm.s32 $_size__tile_overlayer_lowered;
	s7 =	simm.s32 $_tile_overlayer_lowered  }
0x9c: {  	s8 =	simm.s32 $0x1BFF;
	s21 =	sshll.u32 s7, $0x1;
	s5 =	sadd.s32 s5, s20  }
0x9d: {  	s22 =	simm.s32 $0x0;
	s6 =	sshll.u32 s6, $0x1;
	s7 =	sadd.s32 s21, s5  }
0x9e: {  	[timem:s22], [sflag:s8] =	dma.local [hbm:s7], s6  }
0x9f: {  	_ =	swait.ge [sflag:s8], s6  }
0xa0: {  	s6 =	ssub.s32 $0x0, s6;
	[sflag:s8] =	ssyncset.done $0x0  }
0xa1: {  	[sflag:s8] =	ssyncadd.s32 s6;
	_ =	sdelay $0x1  }
0xa2: {  	s23 =	simm.s32 $0x1B8B  }
0xa3: {  	_ =	swait.ge [sflag:s23], $0x1  }
0xa4: {  	[sflag:s23] =	ssyncset.done $0x0  }
0xa5: {  	[sflag:s23] =	ssyncadd.s32 $0xFFFFFFFF  }
0xa6: {  	s6 =	sld [smem:$0x0]  }
0xa7: {  	s7 =	sand.u32 $0xFFFFFFFE, s1  }
0xa8: {  	p0 =	sne.s32 s1, s7  }
0xa9: {  	s7 =	sshll.u32 @p0 s7, $0xE  }
0xaa: {  	s7 =	sadd.s32 @p0 $0x11B8D, s7;
	s8 =	sshll.u32 @p0 s6, $0x11  }
0xab: {  	s7 =	sor.u32 @p0 s8, s7  }
0xac: {  	[sflag:s7] =	ssyncadd.remote.s32 @p0 $0x1;
	_ =	sdelay $0x1  }
0xad: {  	s7 =	simm.s32 @p0 $0x1B8D  }
0xae: {  	_ =	swait.eq @p0 [sflag:s7], $0x1  }
0xaf: {  	[sflag:s7] =	ssyncadd.s32 @p0 $0xFFFFFFFF  }
0xb0: {  	s8 =	sshll.u32 @!p0 s1, $0xE  }
0xb1: {  	s8 =	sor.u32 @!p0 $0x4000, s8;
	s7 =	simm.s32 @!p0 $0x1B8D  }
0xb2: {  	s6 =	sshll.u32 @!p0 s6, $0x11;
	s8 =	sadd.s32 @!p0 $0x11B8D, s8;
	_ =	swait.eq @!p0 [sflag:s7], $0x1  }
0xb3: {  	s6 =	sor.u32 @!p0 s6, s8;
	[sflag:s7] =	ssyncadd.s32 @!p0 $0xFFFFFFFF  }
0xb4: {  	s25 =	simm.s32 $0x1B8E;
	s24 =	sld [smem:$0x3FFE];
	[sflag:s6] =	ssyncadd.remote.s32 @!p0 $0x1  }
0xb5: {  	s26 =	simm.s32 $execute0_lowered;
	[smem:$0x3FD2] =	sst s25  }
0xb6: {  	s7 =	sshll.u32 s26, $0x1;
	_ =	strace $0x8000004F;
	[dreg:$0x1] =	wrdreg $0xFFFFFFFF  }
0xb7: {  	s28 =	simm.s32 $_size_execute0_lowered;
	s5 =	sadd.s32 s5, s7;
	[dreg:$0x0] =	wrdreg $0x0  }
0xb8: {  	s7 =	sshll.u32 s28, $0x1;
	[dreg:$0x2] =	wrdreg s5  }
0xb9: {  	[dreg:$0x3] =	wrdreg s7  }
0xba: {  	[dreg:$0x4] =	wrdreg $0xC0  }
0xbb: {  	_ =	task [dreg:s22], $0x5FFFF  }
0xbc: {  	[dreg:$0x1] =	wrdreg $0xFFFFFFFF  }
0xbd: {  	[dreg:$0x0] =	wrdreg $0x60  }
0xbe: {  	[dreg:$0x2] =	wrdreg s4  }
0xbf: {  	[dreg:$0x3] =	wrdreg s24  }
0xc0: {  	[dreg:$0x4] =	wrdreg s18  }
0xc1: {  	[dreg:$0x5] =	wrdreg $0x9  }
0xc2: {  	_ =	task.clear_ibuf [dreg:s22], $0x6FFFF;
	_ =	strace $0x9000004F  }
0xc3: {  	s29 =	simm.s32 $0x9;
	_ =	strace $0x80000051  }
0xc4: {  	_ =	swait.ge [sflag:s29], $0x1  }
0xc5: {  	[sflag:s29] =	ssyncadd.s32 $0xFFFFFFFF  }
0xc6: {  	_ =	strace $0x90000051  }
0xc7: {  	_ =	sfence  }
0xc8: {  	s30 =	sld [smem:$0x0];
	_ =	sdelay $0x2  }
0xc9: {  	s31 =	sshll.u32 s1, $0xD;
	s1 =	sshrl.u32 s1, $0x2  }
0xca: {  	s4 =	sand.u32 $0x4000, s31;
	s1 =	sadd.s32 s1, s30  }
0xcb: {  	s0 =	sor.u32 s4, s0;
	s1 =	sshll.u32 s1, $0x11  }
0xcc: {  	s0 =	sor.u32 s1, s0  }
0xcd: {  	s0 =	sadd.s32 $0x8F2B, s0  }
0xce: {  	[sflag:s0] =	ssyncadd.remote.s32 $0x1  }
0xcf: {  	_ =	sfence.sel $0xFFFF  }
0xd0: {  	[dreg:$0x0] =	wrdreg $0xFFFFFFFF;
	(pc) =	sbr.abs _section_cstart, $3  }
0xd1: {  	[dreg:$0x1] =	wrdreg $0xFFFFFFFF  }
0xd2: {  	_ =	task.clear_ibuf [dreg:s22], $0x2FFFF;
	_ =	strace $0x9FFFFFFF  }
0xd3: {  	(tm) =	ssettm $0x7FFFFFFF  }
tec
execute0_lowered:
.L_overlay_start_1:
0x0: {  	(tag) =	ssettag $0x1  }
0x1: {  	s2 =	rddreg [dreg:$0x0]  }
0x2: {  	s7 =	rddreg [dreg:$0x1]  }
0x3: {  	s3 =	rddreg [dreg:$0x2]  }
0x4: {  	s0 =	rddreg [dreg:$0x3];
	s1 =	srdreg.scid;
	_ =	strace $0x80000050  }
0x5: {  	s4 =	simm.s32 $0x1;
	s9 =	simm.s32 $0x3;
	s5 =	sshll.u32 s1, $0x4  }
.Ltmp0:
0x6: {  	s1 =	stileid.u32;
	s5 =	sand.u32 $0x10, s5;
	(pc) =	sbr.rel .LBB2_1-.Ltmp0, $4  }
0x7: {  	s12 =	simm.s32 $0x0;
	s10 =	simm.s32 $0x0;
	s6 =	sor.u32 s1, s5  }
0x8: {  	[sflag:s4] =	ssyncpa.u1 $0x0;
	s5 =	simm.s32 $0x2;
	s6 =	sshll.u32 s6, $0x7  }
0x9: {  	s7 =	sadd.s32 $0x200, s7;
	[sflag:s5] =	ssyncpa.u1 $0x0;
	s8 =	sadd.s32 $0x80, s6  }
0xa: {  	vm0 =	vmmov $0xff;
	vm1 =	vcmask $0x3F20;
	[sflag:s9] =	ssyncpa.u1 $0x0;
	s9 =	simm.s32 $0x80;
	s11 =	smov.u32 s6  }
.LBB2_10:
0xb: {  	[hbm:s16] =	stream.linear.scatter [tilespmem:s13], [sflag:$0x3], $0x800, $0x38;
	[tilespmem:$0x10100] =	vst v63  }
.LBB2_11:
0xc: {  	p0 =	seq.s32 s10, $0x2  }
.Ltmp1:
0xd: {  	_ = 	snop;
	(pc) =	sbr.rel @p0 .LBB2_13-.Ltmp1, $1  }
0xe: {  	_ =	sdelay $0x3  }
.LBB2_12:
0xf: {  	s12 =	sadd.s32 $0x80, s11  }
0x10: {  	s13 =	smov.u32 s6;
	p0 =	slt.s32 s12, s8  }
0x11: {  	s13 =	smov.u32 @p0 s12  }
0x12: {  	s10 =	sadd.s32 $0x1, s10;
	s12 =	smov.u32 s11;
	s11 =	smov.u32 s13  }
.LBB2_1:
0x13: {  	p0 =	sne.s32 s10, $0x0  }
.Ltmp2:
0x14: {  	_ = 	snop;
	(pc) =	sbr.rel @!p0 .LBB2_2-.Ltmp2, $1  }
0x15: {  	_ =	sdelay $0x3  }
0x16: {  	s13 =	sand.u32 $0x1, s10  }
0x17: {  	p0 =	seq.s32 s13, $0x0  }
.Ltmp3:
0x18: {  	_ = 	snop;
	(pc) =	sbr.rel @p0 .LBB2_11-.Ltmp3, $1  }
0x19: {  	_ =	sdelay $0x3  }
0x1a: {  	_ =	swait.ge [sflag:s5], $0x80  }
0x1b: {  	[sflag:s5] =	ssyncset.done $0x0  }
0x1c: {  	s13 =	simm.s32 $0x0;
	[sflag:s5] =	ssyncadd.s32 $0xFFFFFF80  }
.LBB2_5:
0x1d: {  	s14 =	sshll.u32 s13, $0x4  }
0x1e: {  	s14 =	sand.u32 $0x3FFFFFF0, s14  }
0x1f: {  	v0 =	vld.msk [tilespmem:s14+$0x80 ss:$0x1], $0xffff;
	_ =	sdelay $0x4  }
0x20: {  	vm2 =	vgt.s32 v0, $0x0  }
0x21: {  	v0 =	vnsel vm2, $0x0, v0  }
0x22: {  	v0 =	vmin.u32 v0, $0xFFF  }
0x23: {  	s31 =	sshll.u32 s13, $0xC;
	v1 =	vshll.u32 v0, $0x5;
	v0 =	vshll.u32 v0, $0x4  }
0x24: {  	s14 =	sand.u32 $0x3FFFF000, s31;
	v1 =	vand.u32 $0x1FF00, v1;
	v0 =	vand.u32 $0x70, v0  }
0x25: {  	p0 =	por $0x1, $0x1;
	s15 =	simm.s32 $0x0;
	s14 =	sadd.s32 $0x8100, s14;
	v0 =	vor.u32 v0, v1  }
.LBB2_6:
0x26: {  	_ =	sdelay $0x1  }
0x27: {  	s15 =	sshra.s32 s15, $0x2;
	p1 =	por p0, p0  }
.Ltmp4:
0x28: {  	s15 =	sadd.s32 s15, s14;
	(pc) =	sbr.rel @p1 .LBB2_6-.Ltmp4, $4  }
0x29: {  	[tilespmem:s15], [sflag:$0x1] =	stream.indirect_vreg.gather [hbm:s2], $0x80, v0, vm0, $0x38;
	[tilespmem:$0x10100] =	vst v63  }
0x2a: {  	s15 =	sadd.s32 $0x800, s15  }
0x2b: {  	[tilespmem:s15], [sflag:$0x1] =	stream.indirect_vreg.gather [hbm:s2], $0x80, v0, vm1, $0x38;
	[tilespmem:$0x10100] =	vst v63  }
0x2c: {  	p0 =	por $0x0, $0x0;
	v0 =	vadd.s32 $0x80, v0;
	s15 =	simm.s32 $0x1000  }
0x2d: {  	s13 =	sadd.s32 $0x1, s13  }
0x2e: {  	p0 =	sne.s32 s13, $0x8  }
.Ltmp5:
0x2f: {  	_ = 	snop;
	(pc) =	sbr.rel @p0 .LBB2_5-.Ltmp5, $1  }
0x30: {  	_ =	sdelay $0x3  }
0x31: {  	s13 =	sshll.u32 s12, $0x5  }
0x32: {  	_ =	swait.ge [sflag:s4], $0x8000;
	s31 =	sshll.u32 s12, $0x4;
	s13 =	sand.u32 $0xFFFFFF00, s13  }
0x33: {  	s14 =	simm.s32 $0x100;
	s12 =	sand.u32 $0x70, s31;
	s13 =	sadd.s32 s13, s3  }
0x34: {  	s15 =	simm.s32 $0x8900;
	[sflag:s4] =	ssyncset.done $0x0;
	s12 =	sadd.s32 s12, s13  }
0x35: {  	[sflag:s4] =	ssyncadd.s32 $0xFFFF8000;
	s13 =	simm.s32 $0x8100;
	s16 =	sadd.s32 $0x0, s12  }
.LBB2_9:
0x36: {  	[hbm:s16] =	stream.linear.scatter [tilespmem:s13], [sflag:$0x3], $0x800, $0x38;
	[tilespmem:$0x10100] =	vst v63  }
0x37: {  	s16 =	smov.u32 s14;
	s13 =	smov.u32 s15;
	p0 =	sne.s32 s14, $0xF00  }
.Ltmp6:
0x38: {  	s14 =	sadd.s32 $0x100, s14;
	(pc) =	sbr.rel @p0 .LBB2_9-.Ltmp6, $2  }
0x39: {  	_ =	sdelay $0x2  }
0x3a: {  	s15 =	sadd.s32 $0x800, s15;
	s16 =	sadd.s32 s16, s12  }
.Ltmp7:
0x3b: {  	_ = 	snop;
	(pc) =	sbr.rel .LBB2_10-.Ltmp7, $1  }
0x3c: {  	_ =	sdelay $0x3  }
.LBB2_2:
.Ltmp8:
0x3d: {  	(pc) =	sbr.rel .LBB2_12-.Ltmp8, $4  }
0x3e: {  	_ = 	snop  }
0x3f: {  	s12 =	sshrl.u32 s11, $0x3  }
0x40: {  	s13 =	sand.u32 $0x7, s11;
	s12 =	sadd.s32 s7, s12  }
0x41: {  	[tilespmem:s9], [sflag:$0x2] =	stream.linear.gather [hbm4b:s12+s13], $0x80, $0x38;
	[tilespmem:$0x10100] =	vst v63  }
.LBB2_13:
0x42: {  	s2 =	simm.s32 $0x3  }
0x43: {  	_ =	swait.ge [sflag:s2], $0x8000  }
0x44: {  	[sflag:s2] =	ssyncset.done $0x0  }
0x45: {  	[sflag:s2] =	ssyncadd.s32 $0xFFFF8000  }
0x46: {  	_ =	sfence.sel $0x180000  }
0x47: {  	s3 =	simm.s32 $0x2;
	[bflag:$0x0] =	sbarrier.arrive $0xFFFF  }
0x48: {  	[sflag:s3] =	ssyncpa.u1 $0x1  }
0x49: {  	s31 =	simm.s32 $0x1;
	[sflag:s2] =	ssyncpa.u1 $0x1  }
0x4a: {  	[sflag:s31] =	ssyncpa.u1 $0x1  }
0x4b: {  	p0 =	sne.s32 s1, $0x0;
	_ =	strace $0x90000050  }
0x4c: {  	s0 =	sadd.s32 @!p0 $0x100000, s0;
	[bflag:$0x2] =	sbarrier.arrive $0xFFFF  }
0x4d: {  	[sflag:s0] =	ssyncadd.tile.s32 @!p0 $0x1;
	_ =	shalt  }
.Lfunc_end2:
_tile_overlayer_lowered:
.L_overlay_start_2:
0x4e: {  	(tag) =	ssettag $0x2  }
0x4f: {  	s0 =	rddreg [dreg:$0x0];
	s2 =	stileid.u32  }
0x50: {  	s1 =	rddreg [dreg:$0x1];
	p0 =	sne.s32 s2, $0x0  }
0x51: {  	s3 =	rddreg [dreg:$0x2];
	[bflag:$0x3] =	sbarrier.arrive $0xFFFF;
	s2 =	simm.s32 @!p0 $0x1C01  }
0x52: {  	[timem:s3], [sflag:s2] =	dma.local @!p0 [hbm:s0], s1  }
0x53: {  	s0 =	simm.s32 @!p0 $0x1  }
0x54: {  	_ =	swait.ge @!p0 [sflag:s0], s1  }
0x55: {  	s1 =	ssub.s32 @!p0 $0x0, s1;
	[sflag:s0] =	ssyncset.done @!p0 $0x0  }
0x56: {  	[sflag:s0] =	ssyncadd.s32 @!p0 s1  }
0x57: {  	[bflag:$0x3] =	sbarrier.arrive $0xFFFF  }
0x58: {  	_ =	shalt  }

</sc_bundles>
